<compile_context>
chip_gen: v7x
topology: tpu7x:2x2x1
jax: 0.10.2.dev20260603
libtpu: 0.0.44.dev20260713+nightly
codegen_flags: <defaults>
</compile_context>

<pallas_src>
import functools

import jax
import jax.numpy as jnp
from jax import lax
from jax.experimental import pallas as pl
from jax.experimental.pallas import tpu as pltpu
from jax.experimental.pallas import tpu_sc as plsc

_B = 64
_NTOT = 1024
_DIM = 256
_LANES = 16
_CPI = 16384
_NW = 32
_BPW = _B // _NW
_NG = 64
_GSZ = (_BPW * _CPI) // _NG
_GV = _GSZ // _LANES
_NSLOT = 8
_LAG = 3


def _body(img_hbm, idx_hbm, out_hbm, idxv, bbuf, *rest):
    wid = lax.axis_index("s") * 2 + lax.axis_index("c")
    base_off = wid * _BPW * _CPI

    ibufs = rest[:_NSLOT]
    dbufs = rest[_NSLOT:2 * _NSLOT]
    gsems = rest[2 * _NSLOT:3 * _NSLOT]
    ssems = rest[3 * _NSLOT:4 * _NSLOT]

    pltpu.sync_copy(idx_hbm, idxv)

    lane = lax.iota(jnp.int32, _LANES)
    lhalf = lane >> 3
    lg8 = (lane & 7) * 8

    def bld(i16, carry):
        s = idxv[pl.ds(i16 * 16, 16)]
        bbuf[pl.ds(i16 * 16, 16)] = (
            ((s >> 5) << 9) + (((s >> 3) & 3) << 6) + (s & 7))
        return carry

    lax.fori_loop(0, _NTOT // 16, bld, 0)

    def build_group(t, ibuf):
        def one(v, carry):
            dv = t * _GV + v
            dvm = dv & 1023
            i_scal = ((dvm >> 3) << 3) + (dvm & 3) * 2
            bi = plsc.load_gather(bbuf, [i_scal + lhalf])
            addend = (((dvm >> 2) & 1) << 8) + ((dv >> 10) * _CPI + base_off)
            ibuf[pl.ds(v * 16, 16)] = bi + lg8 + addend
            return carry

        lax.fori_loop(0, _GV, one, 0)

    def start_gather(t, k):
        build_group(t, ibufs[k])
        pltpu.async_copy(img_hbm.at[ibufs[k]], dbufs[k], gsems[k])

    def wait_gather(k):
        pltpu.make_async_copy(img_hbm.at[pl.ds(0, _GSZ)], dbufs[k],
                              gsems[k]).wait()

    def out_dst(t):
        return out_hbm.at[pl.ds(base_off + t * _GSZ, _GSZ)]

    def start_scatter(t, k):
        pltpu.async_copy(dbufs[k], out_dst(t), ssems[k])

    def wait_scatter(t, k):
        pltpu.make_async_copy(dbufs[k], out_dst(t), ssems[k]).wait()

    ahead = _NSLOT - _LAG
    for t in range(ahead):
        start_gather(t, t)
    for t in range(_LAG):
        wait_gather(t)
        start_scatter(t, t)
        start_gather(t + ahead, t + ahead)

    n_steady = _NG - ahead - _LAG
    assert n_steady % _NSLOT == 0

    def step(t8, carry):
        for k in range(_NSLOT):
            t = _LAG + t8 * _NSLOT + k
            sl = (_LAG + k) % _NSLOT
            wait_gather(sl)
            start_scatter(t, sl)
            fr = (sl + _NSLOT - _LAG) % _NSLOT
            wait_scatter(t - _LAG, fr)
            start_gather(t + ahead, fr)
        return carry

    lax.fori_loop(0, n_steady // _NSLOT, step, 0)

    for t in range(_NG - ahead, _NG):
        sl = t % _NSLOT
        wait_gather(sl)
        start_scatter(t, sl)
        wait_scatter(t - _LAG, (t - _LAG) % _NSLOT)
    for t in range(_NG - _LAG, _NG):
        wait_scatter(t, t % _NSLOT)


@jax.jit
def _sc_gather(images2d, patch_indices):
    mesh = plsc.VectorSubcoreMesh(core_axis_name="c", subcore_axis_name="s")
    return pl.kernel(
        _body,
        out_type=jax.ShapeDtypeStruct((_B * _CPI, _LANES), jnp.float32),
        mesh=mesh,
        compiler_params=pltpu.CompilerParams(
            needs_layout_passes=False, use_tc_tiling_on_sc=False),
        scratch_types=(
            [pltpu.VMEM((_NTOT,), jnp.int32),
             pltpu.VMEM((_NTOT,), jnp.int32)]
            + [pltpu.VMEM((_GSZ,), jnp.int32) for _ in range(_NSLOT)]
            + [pltpu.VMEM((_GSZ, _LANES), jnp.float32) for _ in range(_NSLOT)]
            + [pltpu.SemaphoreType.DMA for _ in range(2 * _NSLOT)]
        ),
    )(images2d, patch_indices)


def kernel(images, patch_indices, patch_mask):
    x = (images.reshape(_B, 64, 8, 4, 128)
         .transpose(0, 1, 3, 2, 4)
         .reshape(_B * _CPI, _LANES))
    y = _sc_gather(x, patch_indices)
    out = (y.reshape(_B, 128, 2, 8, 128)
           .transpose(0, 1, 3, 2, 4)
           .reshape(_B, _NTOT, _DIM))
    return lax.cond(
        jnp.all(patch_mask),
        lambda o: o,
        lambda o: o * patch_mask.astype(o.dtype)[None],
        out,
    )

# --- scband reference (transcript-rebuilt; emitter-appended) ---
"""Pipeline reference for scband-masked-patchify-42640435314826 (READ-ONLY COPY).

The authoritative reference and input builder live on the scoring server;
editing this copy changes nothing except your own understanding.
"""

import jax, jax.numpy as jnp
import numpy as np

H = 512
W = 512
P = 16
B = 64
NPH = H // P
NPW = W // P
NTOT = NPH * NPW
DIM = P * P


def _to_patches_np(img):
    b = img.shape[0]
    x = img.reshape(b, NPH, P, NPW, P)
    x = x.transpose(0, 1, 3, 2, 4).reshape(b, NTOT, DIM)
    return x


def _build_consts(mask_np):
    # patch_mask: (NTOT, DIM) bool, patches of the pixel mask
    patch_mask = _to_patches_np(mask_np[None].astype(np.float32))[0] > 0.5
    patch_indices = np.where(np.any(patch_mask, axis=1))[0]
    # radial ordering: sort patches by mean distance to mask centroid
    yy, xx = np.meshgrid(np.arange(H, dtype=np.float32), np.arange(W, dtype=np.float32), indexing='ij')
    coord = np.stack([yy, xx], axis=-1)
    centroid = coord[mask_np].mean(axis=0)
    dist = np.linalg.norm(coord - centroid, axis=-1)
    patch_dist = _to_patches_np(dist[None])[0]
    patch_dist = patch_dist[patch_indices].mean(axis=1)
    order = np.argsort(patch_dist, kind='stable')
    patch_indices = patch_indices[order]
    patch_mask = patch_mask[patch_indices]
    return patch_indices.astype(np.int32), patch_mask


def setup_inputs(seed: int = 0) -> dict:
    key = jax.random.key(seed)
    images = jax.random.normal(key, (B, H, W), dtype=jnp.float32)
    mask_np = np.ones((H, W), dtype=bool)  # full mask (fill=ones per spec)
    patch_indices, patch_mask = _build_consts(mask_np)
    return {
        "images": images,
        "patch_indices": jnp.asarray(patch_indices),  # int32 buffer (radial permutation)
        "patch_mask": jnp.asarray(patch_mask),        # bool buffer (NTOT, DIM)
    }


def reference(images, patch_indices, patch_mask):
    # forward(images, apply_mask=True)
    # H, W are already multiples of P so ConstantPad2d padding is zero.
    b = images.shape[0]
    x = images.reshape(b, NPH, P, NPW, P)
    x = jnp.transpose(x, (0, 1, 3, 2, 4)).reshape(b, NTOT, DIM)  # Rearrange to_patches
    patches = jnp.take(x, patch_indices, axis=1)                  # gather by patch_indices
    patches = patches * patch_mask.astype(patches.dtype)          # apply_mask
    return patches

if __name__ == "__main__":
    import jax
    _d = setup_inputs()
    print(jax.jit(kernel)(*tuple(_d.values())))

</pallas_src>

<mosaic_0001>
#map = affine_map<(d0, d1) -> (0, 0)>
#map1 = affine_map<(d0, d1) -> (0)>
module attributes {stable_mosaic.version = 14 : i64} {
  func.func @_body(%arg0: i32, %arg1: i32, %arg2: memref<1048576x16xf32, #tpu.memory_space<hbm>>, %arg3: memref<1024xi32, #tpu.memory_space<hbm>>, %arg4: memref<1048576x16xf32, #tpu.memory_space<hbm>>, %arg5: memref<1024xi32, #tpu.memory_space<vmem>>, %arg6: memref<1024xi32, #tpu.memory_space<vmem>>, %arg7: memref<512xi32, #tpu.memory_space<vmem>>, %arg8: memref<512xi32, #tpu.memory_space<vmem>>, %arg9: memref<512xi32, #tpu.memory_space<vmem>>, %arg10: memref<512xi32, #tpu.memory_space<vmem>>, %arg11: memref<512xi32, #tpu.memory_space<vmem>>, %arg12: memref<512xi32, #tpu.memory_space<vmem>>, %arg13: memref<512xi32, #tpu.memory_space<vmem>>, %arg14: memref<512xi32, #tpu.memory_space<vmem>>, %arg15: memref<512x16xf32, #tpu.memory_space<vmem>>, %arg16: memref<512x16xf32, #tpu.memory_space<vmem>>, %arg17: memref<512x16xf32, #tpu.memory_space<vmem>>, %arg18: memref<512x16xf32, #tpu.memory_space<vmem>>, %arg19: memref<512x16xf32, #tpu.memory_space<vmem>>, %arg20: memref<512x16xf32, #tpu.memory_space<vmem>>, %arg21: memref<512x16xf32, #tpu.memory_space<vmem>>, %arg22: memref<512x16xf32, #tpu.memory_space<vmem>>, %arg23: memref<!tpu.dma_semaphore, #tpu.memory_space<semaphore_mem>>, %arg24: memref<!tpu.dma_semaphore, #tpu.memory_space<semaphore_mem>>, %arg25: memref<!tpu.dma_semaphore, #tpu.memory_space<semaphore_mem>>, %arg26: memref<!tpu.dma_semaphore, #tpu.memory_space<semaphore_mem>>, %arg27: memref<!tpu.dma_semaphore, #tpu.memory_space<semaphore_mem>>, %arg28: memref<!tpu.dma_semaphore, #tpu.memory_space<semaphore_mem>>, %arg29: memref<!tpu.dma_semaphore, #tpu.memory_space<semaphore_mem>>, %arg30: memref<!tpu.dma_semaphore, #tpu.memory_space<semaphore_mem>>, %arg31: memref<!tpu.dma_semaphore, #tpu.memory_space<semaphore_mem>>, %arg32: memref<!tpu.dma_semaphore, #tpu.memory_space<semaphore_mem>>, %arg33: memref<!tpu.dma_semaphore, #tpu.memory_space<semaphore_mem>>, %arg34: memref<!tpu.dma_semaphore, #tpu.memory_space<semaphore_mem>>, %arg35: memref<!tpu.dma_semaphore, #tpu.memory_space<semaphore_mem>>, %arg36: memref<!tpu.dma_semaphore, #tpu.memory_space<semaphore_mem>>, %arg37: memref<!tpu.dma_semaphore, #tpu.memory_space<semaphore_mem>>, %arg38: memref<!tpu.dma_semaphore, #tpu.memory_space<semaphore_mem>>) attributes {dimension_semantics = [#tpu.dimension_semantics<core_parallel>, #tpu.dimension_semantics<subcore_parallel>], iteration_bounds = array<i64: 2, 16>, scalar_prefetch = 0 : i64, scratch_operands = 34 : i64, tpu.core_type = #tpu.core_type<sc_vector_subcore>, window_params = [{transform_indices = #map}, {transform_indices = #map1}, {transform_indices = #map}]} {
    %mul3A = arith.constant 2 : i32
    %mul3A_0 = arith.muli %arg1, %mul3A : i32
    %add3A = arith.addi %mul3A_0, %arg0 : i32
    %mul3A_1 = arith.constant 2 : i32
    %mul3A_2 = arith.muli %add3A, %mul3A_1 : i32
    %mul3A_3 = arith.constant 16384 : i32
    %mul3A_4 = arith.muli %mul3A_2, %mul3A_3 : i32
    "tpu.region"() ({
      %run_scoped3A = tpu.sem_alloc : memref<!tpu.dma_semaphore, #tpu.memory_space<semaphore_mem>>
      tpu.enqueue_dma source(%arg3 : memref<1024xi32, #tpu.memory_space<hbm>>) target(%arg5 : memref<1024xi32, #tpu.memory_space<vmem>>) target_semaphore(%run_scoped3A : memref<!tpu.dma_semaphore, #tpu.memory_space<semaphore_mem>>)
      tpu.wait_dma2 semaphore(%run_scoped3A : memref<!tpu.dma_semaphore, #tpu.memory_space<semaphore_mem>>) src(%arg3 : memref<1024xi32, #tpu.memory_space<hbm>>) dst(%arg5 : memref<1024xi32, #tpu.memory_space<vmem>>)
      tpu.yield
    }) : () -> ()
    %iota3A = tpu.iota {dimensions = array<i32: 0>} : vector<16xi32>
    %shift_right_arithmetic3A = arith.constant 3 : i32
    %shift_right_arithmetic3A_5 = vector.broadcast %shift_right_arithmetic3A : i32 to vector<16xi32>
    %shift_right_arithmetic3A_6 = arith.shrsi %iota3A, %shift_right_arithmetic3A_5 : vector<16xi32>
    %and3A = arith.constant 7 : i32
    %and3A_7 = vector.broadcast %and3A : i32 to vector<16xi32>
    %and3A_8 = arith.andi %iota3A, %and3A_7 : vector<16xi32>
    %mul3A_9 = arith.constant 8 : i32
    %mul3A_10 = vector.broadcast %mul3A_9 : i32 to vector<16xi32>
    %mul3A_11 = arith.muli %and3A_8, %mul3A_10 : vector<16xi32>
    %scan3A = arith.constant 0 : i32
    %scan3A_12 = arith.constant 0 : i32
    %scan3A_13 = arith.constant 64 : i32
    %scan3A_14 = arith.addi %scan3A_12, %scan3A_13 : i32
    %scan3A_15 = arith.constant 1 : i32
    scf.for %scan3A_237 = %scan3A_12 to %scan3A_14 step %scan3A_15  : i32 {
      %mul3A_238 = arith.constant 16 : i32
      %mul3A_239 = arith.muli %scan3A_237, %mul3A_238 : i32
      %get3A = arith.index_cast %mul3A_239 : i32 to index
      %get3A_240 = tpu.vector_load %arg5[%get3A] {strides = array<i32>} : memref<1024xi32, #tpu.memory_space<vmem>>, vector<16xi32>,
      %shift_right_arithmetic3A_241 = arith.constant 5 : i32
      %shift_right_arithmetic3A_242 = vector.broadcast %shift_right_arithmetic3A_241 : i32 to vector<16xi32>
      %shift_right_arithmetic3A_243 = arith.shrsi %get3A_240, %shift_right_arithmetic3A_242 : vector<16xi32>
      %shift_left3A = arith.constant 9 : i32
      %shift_left3A_244 = vector.broadcast %shift_left3A : i32 to vector<16xi32>
      %shift_left3A_245 = arith.shli %shift_right_arithmetic3A_243, %shift_left3A_244 : vector<16xi32>
      %shift_right_arithmetic3A_246 = arith.constant 3 : i32
      %shift_right_arithmetic3A_247 = vector.broadcast %shift_right_arithmetic3A_246 : i32 to vector<16xi32>
      %shift_right_arithmetic3A_248 = arith.shrsi %get3A_240, %shift_right_arithmetic3A_247 : vector<16xi32>
      %and3A_249 = arith.constant 3 : i32
      %and3A_250 = vector.broadcast %and3A_249 : i32 to vector<16xi32>
      %and3A_251 = arith.andi %shift_right_arithmetic3A_248, %and3A_250 : vector<16xi32>
      %shift_left3A_252 = arith.constant 6 : i32
      %shift_left3A_253 = vector.broadcast %shift_left3A_252 : i32 to vector<16xi32>
      %shift_left3A_254 = arith.shli %and3A_251, %shift_left3A_253 : vector<16xi32>
      %add3A_255 = arith.addi %shift_left3A_245, %shift_left3A_254 : vector<16xi32>
      %and3A_256 = arith.constant 7 : i32
      %and3A_257 = vector.broadcast %and3A_256 : i32 to vector<16xi32>
      %and3A_258 = arith.andi %get3A_240, %and3A_257 : vector<16xi32>
      %add3A_259 = arith.addi %add3A_255, %and3A_258 : vector<16xi32>
      %mul3A_260 = arith.constant 16 : i32
      %mul3A_261 = arith.muli %scan3A_237, %mul3A_260 : i32
      %swap3A = arith.index_cast %mul3A_261 : i32 to index
      %swap3A_262 = tpu.vector_load %arg6[%swap3A] {strides = array<i32>} : memref<1024xi32, #tpu.memory_space<vmem>>, vector<16xi32>,
      tpu.vector_store %arg6[%swap3A], %add3A_259 {strides = array<i32>} : memref<1024xi32, #tpu.memory_space<vmem>>, vector<16xi32>,
    }
    %scan3A_16 = arith.constant 64 : i32
    %scan3A_17 = arith.constant 0 : i32
    %scan3A_18 = arith.constant 0 : i32
    %scan3A_19 = arith.constant 32 : i32
    %scan3A_20 = arith.addi %scan3A_18, %scan3A_19 : i32
    %scan3A_21 = arith.constant 1 : i32
    scf.for %scan3A_237 = %scan3A_18 to %scan3A_20 step %scan3A_21  : i32 {
      %add3A_238 = arith.constant 0 : i32
      %add3A_239 = arith.addi %add3A_238, %scan3A_237 : i32
      %and3A_240 = arith.constant 1023 : i32
      %and3A_241 = arith.andi %add3A_239, %and3A_240 : i32
      %shift_right_arithmetic3A_242 = arith.constant 3 : i32
      %shift_right_arithmetic3A_243 = arith.shrsi %and3A_241, %shift_right_arithmetic3A_242 : i32
      %shift_left3A = arith.constant 3 : i32
      %shift_left3A_244 = arith.shli %shift_right_arithmetic3A_243, %shift_left3A : i32
      %and3A_245 = arith.constant 3 : i32
      %and3A_246 = arith.andi %and3A_241, %and3A_245 : i32
      %mul3A_247 = arith.constant 2 : i32
      %mul3A_248 = arith.muli %and3A_246, %mul3A_247 : i32
      %add3A_249 = arith.addi %shift_left3A_244, %mul3A_248 : i32
      %add3A_250 = vector.broadcast %add3A_249 : i32 to vector<16xi32>
      %add3A_251 = arith.addi %add3A_250, %shift_right_arithmetic3A_6 : vector<16xi32>
      %gather3A = tpu.vector_load_idx %arg6[%add3A_251] : memref<1024xi32, #tpu.memory_space<vmem>>[vector<16xi32>], vector<16xi32>,
      %shift_right_arithmetic3A_252 = arith.constant 2 : i32
      %shift_right_arithmetic3A_253 = arith.shrsi %and3A_241, %shift_right_arithmetic3A_252 : i32
      %and3A_254 = arith.constant 1 : i32
      %and3A_255 = arith.andi %shift_right_arithmetic3A_253, %and3A_254 : i32
      %shift_left3A_256 = arith.constant 8 : i32
      %shift_left3A_257 = arith.shli %and3A_255, %shift_left3A_256 : i32
      %shift_right_arithmetic3A_258 = arith.constant 10 : i32
      %shift_right_arithmetic3A_259 = arith.shrsi %add3A_239, %shift_right_arithmetic3A_258 : i32
      %mul3A_260 = arith.constant 16384 : i32
      %mul3A_261 = arith.muli %shift_right_arithmetic3A_259, %mul3A_260 : i32
      %add3A_262 = arith.addi %mul3A_261, %mul3A_4 : i32
      %add3A_263 = arith.addi %shift_left3A_257, %add3A_262 : i32
      %add3A_264 = arith.addi %gather3A, %mul3A_11 : vector<16xi32>
      %add3A_265 = vector.broadcast %add3A_263 : i32 to vector<16xi32>
      %add3A_266 = arith.addi %add3A_264, %add3A_265 : vector<16xi32>
      %mul3A_267 = arith.constant 16 : i32
      %mul3A_268 = arith.muli %scan3A_237, %mul3A_267 : i32
      %swap3A = arith.index_cast %mul3A_268 : i32 to index
      %swap3A_269 = tpu.vector_load %arg7[%swap3A] {strides = array<i32>} : memref<512xi32, #tpu.memory_space<vmem>>, vector<16xi32>,
      tpu.vector_store %arg7[%swap3A], %add3A_266 {strides = array<i32>} : memref<512xi32, #tpu.memory_space<vmem>>, vector<16xi32>,
    }
    %scan3A_22 = arith.constant 32 : i32
    %dma_start3A = arith.constant 0 : i32
    %dma_start3A_23 = arith.constant 0 : i32
    %dma_start3A_24 = tpu.memref_slice %arg2[%dma_start3A, %dma_start3A_23] : memref<1048576x16xf32, #tpu.memory_space<hbm>> -> memref<1048576x16xf32, #tpu.memory_space<hbm>>
    tpu.enqueue_indirect_dma source(%dma_start3A_24 : memref<1048576x16xf32, #tpu.memory_space<hbm>>) target(%arg15 : memref<512x16xf32, #tpu.memory_space<vmem>>) offsets(%arg7 : memref<512xi32, #tpu.memory_space<vmem>>) semaphore(%arg23 : memref<!tpu.dma_semaphore, #tpu.memory_space<semaphore_mem>>)
    %scan3A_25 = arith.constant 0 : i32
    %scan3A_26 = arith.constant 0 : i32
    %scan3A_27 = arith.constant 32 : i32
    %scan3A_28 = arith.addi %scan3A_26, %scan3A_27 : i32
    %scan3A_29 = arith.constant 1 : i32
    scf.for %scan3A_237 = %scan3A_26 to %scan3A_28 step %scan3A_29  : i32 {
      %add3A_238 = arith.constant 32 : i32
      %add3A_239 = arith.addi %add3A_238, %scan3A_237 : i32
      %and3A_240 = arith.constant 1023 : i32
      %and3A_241 = arith.andi %add3A_239, %and3A_240 : i32
      %shift_right_arithmetic3A_242 = arith.constant 3 : i32
      %shift_right_arithmetic3A_243 = arith.shrsi %and3A_241, %shift_right_arithmetic3A_242 : i32
      %shift_left3A = arith.constant 3 : i32
      %shift_left3A_244 = arith.shli %shift_right_arithmetic3A_243, %shift_left3A : i32
      %and3A_245 = arith.constant 3 : i32
      %and3A_246 = arith.andi %and3A_241, %and3A_245 : i32
      %mul3A_247 = arith.constant 2 : i32
      %mul3A_248 = arith.muli %and3A_246, %mul3A_247 : i32
      %add3A_249 = arith.addi %shift_left3A_244, %mul3A_248 : i32
      %add3A_250 = vector.broadcast %add3A_249 : i32 to vector<16xi32>
      %add3A_251 = arith.addi %add3A_250, %shift_right_arithmetic3A_6 : vector<16xi32>
      %gather3A = tpu.vector_load_idx %arg6[%add3A_251] : memref<1024xi32, #tpu.memory_space<vmem>>[vector<16xi32>], vector<16xi32>,
      %shift_right_arithmetic3A_252 = arith.constant 2 : i32
      %shift_right_arithmetic3A_253 = arith.shrsi %and3A_241, %shift_right_arithmetic3A_252 : i32
      %and3A_254 = arith.constant 1 : i32
      %and3A_255 = arith.andi %shift_right_arithmetic3A_253, %and3A_254 : i32
      %shift_left3A_256 = arith.constant 8 : i32
      %shift_left3A_257 = arith.shli %and3A_255, %shift_left3A_256 : i32
      %shift_right_arithmetic3A_258 = arith.constant 10 : i32
      %shift_right_arithmetic3A_259 = arith.shrsi %add3A_239, %shift_right_arithmetic3A_258 : i32
      %mul3A_260 = arith.constant 16384 : i32
      %mul3A_261 = arith.muli %shift_right_arithmetic3A_259, %mul3A_260 : i32
      %add3A_262 = arith.addi %mul3A_261, %mul3A_4 : i32
      %add3A_263 = arith.addi %shift_left3A_257, %add3A_262 : i32
      %add3A_264 = arith.addi %gather3A, %mul3A_11 : vector<16xi32>
      %add3A_265 = vector.broadcast %add3A_263 : i32 to vector<16xi32>
      %add3A_266 = arith.addi %add3A_264, %add3A_265 : vector<16xi32>
      %mul3A_267 = arith.constant 16 : i32
      %mul3A_268 = arith.muli %scan3A_237, %mul3A_267 : i32
      %swap3A = arith.index_cast %mul3A_268 : i32 to index
      %swap3A_269 = tpu.vector_load %arg8[%swap3A] {strides = array<i32>} : memref<512xi32, #tpu.memory_space<vmem>>, vector<16xi32>,
      tpu.vector_store %arg8[%swap3A], %add3A_266 {strides = array<i32>} : memref<512xi32, #tpu.memory_space<vmem>>, vector<16xi32>,
    }
    %scan3A_30 = arith.constant 32 : i32
    %dma_start3A_31 = arith.constant 0 : i32
    %dma_start3A_32 = arith.constant 0 : i32
    %dma_start3A_33 = tpu.memref_slice %arg2[%dma_start3A_31, %dma_start3A_32] : memref<1048576x16xf32, #tpu.memory_space<hbm>> -> memref<1048576x16xf32, #tpu.memory_space<hbm>>
    tpu.enqueue_indirect_dma source(%dma_start3A_33 : memref<1048576x16xf32, #tpu.memory_space<hbm>>) target(%arg16 : memref<512x16xf32, #tpu.memory_space<vmem>>) offsets(%arg8 : memref<512xi32, #tpu.memory_space<vmem>>) semaphore(%arg24 : memref<!tpu.dma_semaphore, #tpu.memory_space<semaphore_mem>>)
    %scan3A_34 = arith.constant 0 : i32
    %scan3A_35 = arith.constant 0 : i32
    %scan3A_36 = arith.constant 32 : i32
    %scan3A_37 = arith.addi %scan3A_35, %scan3A_36 : i32
    %scan3A_38 = arith.constant 1 : i32
    scf.for %scan3A_237 = %scan3A_35 to %scan3A_37 step %scan3A_38  : i32 {
      %add3A_238 = arith.constant 64 : i32
      %add3A_239 = arith.addi %add3A_238, %scan3A_237 : i32
      %and3A_240 = arith.constant 1023 : i32
      %and3A_241 = arith.andi %add3A_239, %and3A_240 : i32
      %shift_right_arithmetic3A_242 = arith.constant 3 : i32
      %shift_right_arithmetic3A_243 = arith.shrsi %and3A_241, %shift_right_arithmetic3A_242 : i32
      %shift_left3A = arith.constant 3 : i32
      %shift_left3A_244 = arith.shli %shift_right_arithmetic3A_243, %shift_left3A : i32
      %and3A_245 = arith.constant 3 : i32
      %and3A_246 = arith.andi %and3A_241, %and3A_245 : i32
      %mul3A_247 = arith.constant 2 : i32
      %mul3A_248 = arith.muli %and3A_246, %mul3A_247 : i32
      %add3A_249 = arith.addi %shift_left3A_244, %mul3A_248 : i32
      %add3A_250 = vector.broadcast %add3A_249 : i32 to vector<16xi32>
      %add3A_251 = arith.addi %add3A_250, %shift_right_arithmetic3A_6 : vector<16xi32>
      %gather3A = tpu.vector_load_idx %arg6[%add3A_251] : memref<1024xi32, #tpu.memory_space<vmem>>[vector<16xi32>], vector<16xi32>,
      %shift_right_arithmetic3A_252 = arith.constant 2 : i32
      %shift_right_arithmetic3A_253 = arith.shrsi %and3A_241, %shift_right_arithmetic3A_252 : i32
      %and3A_254 = arith.constant 1 : i32
      %and3A_255 = arith.andi %shift_right_arithmetic3A_253, %and3A_254 : i32
      %shift_left3A_256 = arith.constant 8 : i32
      %shift_left3A_257 = arith.shli %and3A_255, %shift_left3A_256 : i32
      %shift_right_arithmetic3A_258 = arith.constant 10 : i32
      %shift_right_arithmetic3A_259 = arith.shrsi %add3A_239, %shift_right_arithmetic3A_258 : i32
      %mul3A_260 = arith.constant 16384 : i32
      %mul3A_261 = arith.muli %shift_right_arithmetic3A_259, %mul3A_260 : i32
      %add3A_262 = arith.addi %mul3A_261, %mul3A_4 : i32
      %add3A_263 = arith.addi %shift_left3A_257, %add3A_262 : i32
      %add3A_264 = arith.addi %gather3A, %mul3A_11 : vector<16xi32>
      %add3A_265 = vector.broadcast %add3A_263 : i32 to vector<16xi32>
      %add3A_266 = arith.addi %add3A_264, %add3A_265 : vector<16xi32>
      %mul3A_267 = arith.constant 16 : i32
      %mul3A_268 = arith.muli %scan3A_237, %mul3A_267 : i32
      %swap3A = arith.index_cast %mul3A_268 : i32 to index
      %swap3A_269 = tpu.vector_load %arg9[%swap3A] {strides = array<i32>} : memref<512xi32, #tpu.memory_space<vmem>>, vector<16xi32>,
      tpu.vector_store %arg9[%swap3A], %add3A_266 {strides = array<i32>} : memref<512xi32, #tpu.memory_space<vmem>>, vector<16xi32>,
    }
    %scan3A_39 = arith.constant 32 : i32
    %dma_start3A_40 = arith.constant 0 : i32
    %dma_start3A_41 = arith.constant 0 : i32
    %dma_start3A_42 = tpu.memref_slice %arg2[%dma_start3A_40, %dma_start3A_41] : memref<1048576x16xf32, #tpu.memory_space<hbm>> -> memref<1048576x16xf32, #tpu.memory_space<hbm>>
    tpu.enqueue_indirect_dma source(%dma_start3A_42 : memref<1048576x16xf32, #tpu.memory_space<hbm>>) target(%arg17 : memref<512x16xf32, #tpu.memory_space<vmem>>) offsets(%arg9 : memref<512xi32, #tpu.memory_space<vmem>>) semaphore(%arg25 : memref<!tpu.dma_semaphore, #tpu.memory_space<semaphore_mem>>)
    %scan3A_43 = arith.constant 0 : i32
    %scan3A_44 = arith.constant 0 : i32
    %scan3A_45 = arith.constant 32 : i32
    %scan3A_46 = arith.addi %scan3A_44, %scan3A_45 : i32
    %scan3A_47 = arith.constant 1 : i32
    scf.for %scan3A_237 = %scan3A_44 to %scan3A_46 step %scan3A_47  : i32 {
      %add3A_238 = arith.constant 96 : i32
      %add3A_239 = arith.addi %add3A_238, %scan3A_237 : i32
      %and3A_240 = arith.constant 1023 : i32
      %and3A_241 = arith.andi %add3A_239, %and3A_240 : i32
      %shift_right_arithmetic3A_242 = arith.constant 3 : i32
      %shift_right_arithmetic3A_243 = arith.shrsi %and3A_241, %shift_right_arithmetic3A_242 : i32
      %shift_left3A = arith.constant 3 : i32
      %shift_left3A_244 = arith.shli %shift_right_arithmetic3A_243, %shift_left3A : i32
      %and3A_245 = arith.constant 3 : i32
      %and3A_246 = arith.andi %and3A_241, %and3A_245 : i32
      %mul3A_247 = arith.constant 2 : i32
      %mul3A_248 = arith.muli %and3A_246, %mul3A_247 : i32
      %add3A_249 = arith.addi %shift_left3A_244, %mul3A_248 : i32
      %add3A_250 = vector.broadcast %add3A_249 : i32 to vector<16xi32>
      %add3A_251 = arith.addi %add3A_250, %shift_right_arithmetic3A_6 : vector<16xi32>
      %gather3A = tpu.vector_load_idx %arg6[%add3A_251] : memref<1024xi32, #tpu.memory_space<vmem>>[vector<16xi32>], vector<16xi32>,
      %shift_right_arithmetic3A_252 = arith.constant 2 : i32
      %shift_right_arithmetic3A_253 = arith.shrsi %and3A_241, %shift_right_arithmetic3A_252 : i32
      %and3A_254 = arith.constant 1 : i32
      %and3A_255 = arith.andi %shift_right_arithmetic3A_253, %and3A_254 : i32
      %shift_left3A_256 = arith.constant 8 : i32
      %shift_left3A_257 = arith.shli %and3A_255, %shift_left3A_256 : i32
      %shift_right_arithmetic3A_258 = arith.constant 10 : i32
      %shift_right_arithmetic3A_259 = arith.shrsi %add3A_239, %shift_right_arithmetic3A_258 : i32
      %mul3A_260 = arith.constant 16384 : i32
      %mul3A_261 = arith.muli %shift_right_arithmetic3A_259, %mul3A_260 : i32
      %add3A_262 = arith.addi %mul3A_261, %mul3A_4 : i32
      %add3A_263 = arith.addi %shift_left3A_257, %add3A_262 : i32
      %add3A_264 = arith.addi %gather3A, %mul3A_11 : vector<16xi32>
      %add3A_265 = vector.broadcast %add3A_263 : i32 to vector<16xi32>
      %add3A_266 = arith.addi %add3A_264, %add3A_265 : vector<16xi32>
      %mul3A_267 = arith.constant 16 : i32
      %mul3A_268 = arith.muli %scan3A_237, %mul3A_267 : i32
      %swap3A = arith.index_cast %mul3A_268 : i32 to index
      %swap3A_269 = tpu.vector_load %arg10[%swap3A] {strides = array<i32>} : memref<512xi32, #tpu.memory_space<vmem>>, vector<16xi32>,
      tpu.vector_store %arg10[%swap3A], %add3A_266 {strides = array<i32>} : memref<512xi32, #tpu.memory_space<vmem>>, vector<16xi32>,
    }
    %scan3A_48 = arith.constant 32 : i32
    %dma_start3A_49 = arith.constant 0 : i32
    %dma_start3A_50 = arith.constant 0 : i32
    %dma_start3A_51 = tpu.memref_slice %arg2[%dma_start3A_49, %dma_start3A_50] : memref<1048576x16xf32, #tpu.memory_space<hbm>> -> memref<1048576x16xf32, #tpu.memory_space<hbm>>
    tpu.enqueue_indirect_dma source(%dma_start3A_51 : memref<1048576x16xf32, #tpu.memory_space<hbm>>) target(%arg18 : memref<512x16xf32, #tpu.memory_space<vmem>>) offsets(%arg10 : memref<512xi32, #tpu.memory_space<vmem>>) semaphore(%arg26 : memref<!tpu.dma_semaphore, #tpu.memory_space<semaphore_mem>>)
    %scan3A_52 = arith.constant 0 : i32
    %scan3A_53 = arith.constant 0 : i32
    %scan3A_54 = arith.constant 32 : i32
    %scan3A_55 = arith.addi %scan3A_53, %scan3A_54 : i32
    %scan3A_56 = arith.constant 1 : i32
    scf.for %scan3A_237 = %scan3A_53 to %scan3A_55 step %scan3A_56  : i32 {
      %add3A_238 = arith.constant 128 : i32
      %add3A_239 = arith.addi %add3A_238, %scan3A_237 : i32
      %and3A_240 = arith.constant 1023 : i32
      %and3A_241 = arith.andi %add3A_239, %and3A_240 : i32
      %shift_right_arithmetic3A_242 = arith.constant 3 : i32
      %shift_right_arithmetic3A_243 = arith.shrsi %and3A_241, %shift_right_arithmetic3A_242 : i32
      %shift_left3A = arith.constant 3 : i32
      %shift_left3A_244 = arith.shli %shift_right_arithmetic3A_243, %shift_left3A : i32
      %and3A_245 = arith.constant 3 : i32
      %and3A_246 = arith.andi %and3A_241, %and3A_245 : i32
      %mul3A_247 = arith.constant 2 : i32
      %mul3A_248 = arith.muli %and3A_246, %mul3A_247 : i32
      %add3A_249 = arith.addi %shift_left3A_244, %mul3A_248 : i32
      %add3A_250 = vector.broadcast %add3A_249 : i32 to vector<16xi32>
      %add3A_251 = arith.addi %add3A_250, %shift_right_arithmetic3A_6 : vector<16xi32>
      %gather3A = tpu.vector_load_idx %arg6[%add3A_251] : memref<1024xi32, #tpu.memory_space<vmem>>[vector<16xi32>], vector<16xi32>,
      %shift_right_arithmetic3A_252 = arith.constant 2 : i32
      %shift_right_arithmetic3A_253 = arith.shrsi %and3A_241, %shift_right_arithmetic3A_252 : i32
      %and3A_254 = arith.constant 1 : i32
      %and3A_255 = arith.andi %shift_right_arithmetic3A_253, %and3A_254 : i32
      %shift_left3A_256 = arith.constant 8 : i32
      %shift_left3A_257 = arith.shli %and3A_255, %shift_left3A_256 : i32
      %shift_right_arithmetic3A_258 = arith.constant 10 : i32
      %shift_right_arithmetic3A_259 = arith.shrsi %add3A_239, %shift_right_arithmetic3A_258 : i32
      %mul3A_260 = arith.constant 16384 : i32
      %mul3A_261 = arith.muli %shift_right_arithmetic3A_259, %mul3A_260 : i32
      %add3A_262 = arith.addi %mul3A_261, %mul3A_4 : i32
      %add3A_263 = arith.addi %shift_left3A_257, %add3A_262 : i32
      %add3A_264 = arith.addi %gather3A, %mul3A_11 : vector<16xi32>
      %add3A_265 = vector.broadcast %add3A_263 : i32 to vector<16xi32>
      %add3A_266 = arith.addi %add3A_264, %add3A_265 : vector<16xi32>
      %mul3A_267 = arith.constant 16 : i32
      %mul3A_268 = arith.muli %scan3A_237, %mul3A_267 : i32
      %swap3A = arith.index_cast %mul3A_268 : i32 to index
      %swap3A_269 = tpu.vector_load %arg11[%swap3A] {strides = array<i32>} : memref<512xi32, #tpu.memory_space<vmem>>, vector<16xi32>,
      tpu.vector_store %arg11[%swap3A], %add3A_266 {strides = array<i32>} : memref<512xi32, #tpu.memory_space<vmem>>, vector<16xi32>,
    }
    %scan3A_57 = arith.constant 32 : i32
    %dma_start3A_58 = arith.constant 0 : i32
    %dma_start3A_59 = arith.constant 0 : i32
    %dma_start3A_60 = tpu.memref_slice %arg2[%dma_start3A_58, %dma_start3A_59] : memref<1048576x16xf32, #tpu.memory_space<hbm>> -> memref<1048576x16xf32, #tpu.memory_space<hbm>>
    tpu.enqueue_indirect_dma source(%dma_start3A_60 : memref<1048576x16xf32, #tpu.memory_space<hbm>>) target(%arg19 : memref<512x16xf32, #tpu.memory_space<vmem>>) offsets(%arg11 : memref<512xi32, #tpu.memory_space<vmem>>) semaphore(%arg27 : memref<!tpu.dma_semaphore, #tpu.memory_space<semaphore_mem>>)
    %dma_wait3A = arith.constant 0 : i32
    %dma_wait3A_61 = arith.constant 0 : i32
    %dma_wait3A_62 = tpu.memref_slice %arg2[%dma_wait3A, %dma_wait3A_61] : memref<1048576x16xf32, #tpu.memory_space<hbm>> -> memref<512x16xf32, #tpu.memory_space<hbm>>
    %dma_wait3A_63 = arith.constant 0 : i32
    %dma_wait3A_64 = arith.constant 0 : i32
    %dma_wait3A_65 = tpu.memref_slice %arg2[%dma_wait3A_63, %dma_wait3A_64] : memref<1048576x16xf32, #tpu.memory_space<hbm>> -> memref<512x16xf32, #tpu.memory_space<hbm>>
    tpu.wait_dma2 semaphore(%arg23 : memref<!tpu.dma_semaphore, #tpu.memory_space<semaphore_mem>>) src(%dma_wait3A_65 : memref<512x16xf32, #tpu.memory_space<hbm>>) dst(%arg15 : memref<512x16xf32, #tpu.memory_space<vmem>>)
    %add3A_66 = arith.constant 0 : i32
    %add3A_67 = arith.addi %mul3A_4, %add3A_66 : i32
    %dma_start3A_68 = arith.constant 0 : i32
    %dma_start3A_69 = tpu.memref_slice %arg4[%add3A_67, %dma_start3A_68] : memref<1048576x16xf32, #tpu.memory_space<hbm>> -> memref<512x16xf32, #tpu.memory_space<hbm>>
    %dma_start3A_70 = arith.constant 0 : i32
    %dma_start3A_71 = tpu.memref_slice %arg4[%add3A_67, %dma_start3A_70] : memref<1048576x16xf32, #tpu.memory_space<hbm>> -> memref<512x16xf32, #tpu.memory_space<hbm>>
    tpu.enqueue_dma source(%arg15 : memref<512x16xf32, #tpu.memory_space<vmem>>) target(%dma_start3A_71 : memref<512x16xf32, #tpu.memory_space<hbm>>) target_semaphore(%arg31 : memref<!tpu.dma_semaphore, #tpu.memory_space<semaphore_mem>>)
    %scan3A_72 = arith.constant 0 : i32
    %scan3A_73 = arith.constant 0 : i32
    %scan3A_74 = arith.constant 32 : i32
    %scan3A_75 = arith.addi %scan3A_73, %scan3A_74 : i32
    %scan3A_76 = arith.constant 1 : i32
    scf.for %scan3A_237 = %scan3A_73 to %scan3A_75 step %scan3A_76  : i32 {
      %add3A_238 = arith.constant 160 : i32
      %add3A_239 = arith.addi %add3A_238, %scan3A_237 : i32
      %and3A_240 = arith.constant 1023 : i32
      %and3A_241 = arith.andi %add3A_239, %and3A_240 : i32
      %shift_right_arithmetic3A_242 = arith.constant 3 : i32
      %shift_right_arithmetic3A_243 = arith.shrsi %and3A_241, %shift_right_arithmetic3A_242 : i32
      %shift_left3A = arith.constant 3 : i32
      %shift_left3A_244 = arith.shli %shift_right_arithmetic3A_243, %shift_left3A : i32
      %and3A_245 = arith.constant 3 : i32
      %and3A_246 = arith.andi %and3A_241, %and3A_245 : i32
      %mul3A_247 = arith.constant 2 : i32
      %mul3A_248 = arith.muli %and3A_246, %mul3A_247 : i32
      %add3A_249 = arith.addi %shift_left3A_244, %mul3A_248 : i32
      %add3A_250 = vector.broadcast %add3A_249 : i32 to vector<16xi32>
      %add3A_251 = arith.addi %add3A_250, %shift_right_arithmetic3A_6 : vector<16xi32>
      %gather3A = tpu.vector_load_idx %arg6[%add3A_251] : memref<1024xi32, #tpu.memory_space<vmem>>[vector<16xi32>], vector<16xi32>,
      %shift_right_arithmetic3A_252 = arith.constant 2 : i32
      %shift_right_arithmetic3A_253 = arith.shrsi %and3A_241, %shift_right_arithmetic3A_252 : i32
      %and3A_254 = arith.constant 1 : i32
      %and3A_255 = arith.andi %shift_right_arithmetic3A_253, %and3A_254 : i32
      %shift_left3A_256 = arith.constant 8 : i32
      %shift_left3A_257 = arith.shli %and3A_255, %shift_left3A_256 : i32
      %shift_right_arithmetic3A_258 = arith.constant 10 : i32
      %shift_right_arithmetic3A_259 = arith.shrsi %add3A_239, %shift_right_arithmetic3A_258 : i32
      %mul3A_260 = arith.constant 16384 : i32
      %mul3A_261 = arith.muli %shift_right_arithmetic3A_259, %mul3A_260 : i32
      %add3A_262 = arith.addi %mul3A_261, %mul3A_4 : i32
      %add3A_263 = arith.addi %shift_left3A_257, %add3A_262 : i32
      %add3A_264 = arith.addi %gather3A, %mul3A_11 : vector<16xi32>
      %add3A_265 = vector.broadcast %add3A_263 : i32 to vector<16xi32>
      %add3A_266 = arith.addi %add3A_264, %add3A_265 : vector<16xi32>
      %mul3A_267 = arith.constant 16 : i32
      %mul3A_268 = arith.muli %scan3A_237, %mul3A_267 : i32
      %swap3A = arith.index_cast %mul3A_268 : i32 to index
      %swap3A_269 = tpu.vector_load %arg12[%swap3A] {strides = array<i32>} : memref<512xi32, #tpu.memory_space<vmem>>, vector<16xi32>,
      tpu.vector_store %arg12[%swap3A], %add3A_266 {strides = array<i32>} : memref<512xi32, #tpu.memory_space<vmem>>, vector<16xi32>,
    }
    %scan3A_77 = arith.constant 32 : i32
    %dma_start3A_78 = arith.constant 0 : i32
    %dma_start3A_79 = arith.constant 0 : i32
    %dma_start3A_80 = tpu.memref_slice %arg2[%dma_start3A_78, %dma_start3A_79] : memref<1048576x16xf32, #tpu.memory_space<hbm>> -> memref<1048576x16xf32, #tpu.memory_space<hbm>>
    tpu.enqueue_indirect_dma source(%dma_start3A_80 : memref<1048576x16xf32, #tpu.memory_space<hbm>>) target(%arg20 : memref<512x16xf32, #tpu.memory_space<vmem>>) offsets(%arg12 : memref<512xi32, #tpu.memory_space<vmem>>) semaphore(%arg28 : memref<!tpu.dma_semaphore, #tpu.memory_space<semaphore_mem>>)
    %dma_wait3A_81 = arith.constant 0 : i32
    %dma_wait3A_82 = arith.constant 0 : i32
    %dma_wait3A_83 = tpu.memref_slice %arg2[%dma_wait3A_81, %dma_wait3A_82] : memref<1048576x16xf32, #tpu.memory_space<hbm>> -> memref<512x16xf32, #tpu.memory_space<hbm>>
    %dma_wait3A_84 = arith.constant 0 : i32
    %dma_wait3A_85 = arith.constant 0 : i32
    %dma_wait3A_86 = tpu.memref_slice %arg2[%dma_wait3A_84, %dma_wait3A_85] : memref<1048576x16xf32, #tpu.memory_space<hbm>> -> memref<512x16xf32, #tpu.memory_space<hbm>>
    tpu.wait_dma2 semaphore(%arg24 : memref<!tpu.dma_semaphore, #tpu.memory_space<semaphore_mem>>) src(%dma_wait3A_86 : memref<512x16xf32, #tpu.memory_space<hbm>>) dst(%arg16 : memref<512x16xf32, #tpu.memory_space<vmem>>)
    %add3A_87 = arith.constant 512 : i32
    %add3A_88 = arith.addi %mul3A_4, %add3A_87 : i32
    %dma_start3A_89 = arith.constant 0 : i32
    %dma_start3A_90 = tpu.memref_slice %arg4[%add3A_88, %dma_start3A_89] : memref<1048576x16xf32, #tpu.memory_space<hbm>> -> memref<512x16xf32, #tpu.memory_space<hbm>>
    %dma_start3A_91 = arith.constant 0 : i32
    %dma_start3A_92 = tpu.memref_slice %arg4[%add3A_88, %dma_start3A_91] : memref<1048576x16xf32, #tpu.memory_space<hbm>> -> memref<512x16xf32, #tpu.memory_space<hbm>>
    tpu.enqueue_dma source(%arg16 : memref<512x16xf32, #tpu.memory_space<vmem>>) target(%dma_start3A_92 : memref<512x16xf32, #tpu.memory_space<hbm>>) target_semaphore(%arg32 : memref<!tpu.dma_semaphore, #tpu.memory_space<semaphore_mem>>)
    %scan3A_93 = arith.constant 0 : i32
    %scan3A_94 = arith.constant 0 : i32
    %scan3A_95 = arith.constant 32 : i32
    %scan3A_96 = arith.addi %scan3A_94, %scan3A_95 : i32
    %scan3A_97 = arith.constant 1 : i32
    scf.for %scan3A_237 = %scan3A_94 to %scan3A_96 step %scan3A_97  : i32 {
      %add3A_238 = arith.constant 192 : i32
      %add3A_239 = arith.addi %add3A_238, %scan3A_237 : i32
      %and3A_240 = arith.constant 1023 : i32
      %and3A_241 = arith.andi %add3A_239, %and3A_240 : i32
      %shift_right_arithmetic3A_242 = arith.constant 3 : i32
      %shift_right_arithmetic3A_243 = arith.shrsi %and3A_241, %shift_right_arithmetic3A_242 : i32
      %shift_left3A = arith.constant 3 : i32
      %shift_left3A_244 = arith.shli %shift_right_arithmetic3A_243, %shift_left3A : i32
      %and3A_245 = arith.constant 3 : i32
      %and3A_246 = arith.andi %and3A_241, %and3A_245 : i32
      %mul3A_247 = arith.constant 2 : i32
      %mul3A_248 = arith.muli %and3A_246, %mul3A_247 : i32
      %add3A_249 = arith.addi %shift_left3A_244, %mul3A_248 : i32
      %add3A_250 = vector.broadcast %add3A_249 : i32 to vector<16xi32>
      %add3A_251 = arith.addi %add3A_250, %shift_right_arithmetic3A_6 : vector<16xi32>
      %gather3A = tpu.vector_load_idx %arg6[%add3A_251] : memref<1024xi32, #tpu.memory_space<vmem>>[vector<16xi32>], vector<16xi32>,
      %shift_right_arithmetic3A_252 = arith.constant 2 : i32
      %shift_right_arithmetic3A_253 = arith.shrsi %and3A_241, %shift_right_arithmetic3A_252 : i32
      %and3A_254 = arith.constant 1 : i32
      %and3A_255 = arith.andi %shift_right_arithmetic3A_253, %and3A_254 : i32
      %shift_left3A_256 = arith.constant 8 : i32
      %shift_left3A_257 = arith.shli %and3A_255, %shift_left3A_256 : i32
      %shift_right_arithmetic3A_258 = arith.constant 10 : i32
      %shift_right_arithmetic3A_259 = arith.shrsi %add3A_239, %shift_right_arithmetic3A_258 : i32
      %mul3A_260 = arith.constant 16384 : i32
      %mul3A_261 = arith.muli %shift_right_arithmetic3A_259, %mul3A_260 : i32
      %add3A_262 = arith.addi %mul3A_261, %mul3A_4 : i32
      %add3A_263 = arith.addi %shift_left3A_257, %add3A_262 : i32
      %add3A_264 = arith.addi %gather3A, %mul3A_11 : vector<16xi32>
      %add3A_265 = vector.broadcast %add3A_263 : i32 to vector<16xi32>
      %add3A_266 = arith.addi %add3A_264, %add3A_265 : vector<16xi32>
      %mul3A_267 = arith.constant 16 : i32
      %mul3A_268 = arith.muli %scan3A_237, %mul3A_267 : i32
      %swap3A = arith.index_cast %mul3A_268 : i32 to index
      %swap3A_269 = tpu.vector_load %arg13[%swap3A] {strides = array<i32>} : memref<512xi32, #tpu.memory_space<vmem>>, vector<16xi32>,
      tpu.vector_store %arg13[%swap3A], %add3A_266 {strides = array<i32>} : memref<512xi32, #tpu.memory_space<vmem>>, vector<16xi32>,
    }
    %scan3A_98 = arith.constant 32 : i32
    %dma_start3A_99 = arith.constant 0 : i32
    %dma_start3A_100 = arith.constant 0 : i32
    %dma_start3A_101 = tpu.memref_slice %arg2[%dma_start3A_99, %dma_start3A_100] : memref<1048576x16xf32, #tpu.memory_space<hbm>> -> memref<1048576x16xf32, #tpu.memory_space<hbm>>
    tpu.enqueue_indirect_dma source(%dma_start3A_101 : memref<1048576x16xf32, #tpu.memory_space<hbm>>) target(%arg21 : memref<512x16xf32, #tpu.memory_space<vmem>>) offsets(%arg13 : memref<512xi32, #tpu.memory_space<vmem>>) semaphore(%arg29 : memref<!tpu.dma_semaphore, #tpu.memory_space<semaphore_mem>>)
    %dma_wait3A_102 = arith.constant 0 : i32
    %dma_wait3A_103 = arith.constant 0 : i32
    %dma_wait3A_104 = tpu.memref_slice %arg2[%dma_wait3A_102, %dma_wait3A_103] : memref<1048576x16xf32, #tpu.memory_space<hbm>> -> memref<512x16xf32, #tpu.memory_space<hbm>>
    %dma_wait3A_105 = arith.constant 0 : i32
    %dma_wait3A_106 = arith.constant 0 : i32
    %dma_wait3A_107 = tpu.memref_slice %arg2[%dma_wait3A_105, %dma_wait3A_106] : memref<1048576x16xf32, #tpu.memory_space<hbm>> -> memref<512x16xf32, #tpu.memory_space<hbm>>
    tpu.wait_dma2 semaphore(%arg25 : memref<!tpu.dma_semaphore, #tpu.memory_space<semaphore_mem>>) src(%dma_wait3A_107 : memref<512x16xf32, #tpu.memory_space<hbm>>) dst(%arg17 : memref<512x16xf32, #tpu.memory_space<vmem>>)
    %add3A_108 = arith.constant 1024 : i32
    %add3A_109 = arith.addi %mul3A_4, %add3A_108 : i32
    %dma_start3A_110 = arith.constant 0 : i32
    %dma_start3A_111 = tpu.memref_slice %arg4[%add3A_109, %dma_start3A_110] : memref<1048576x16xf32, #tpu.memory_space<hbm>> -> memref<512x16xf32, #tpu.memory_space<hbm>>
    %dma_start3A_112 = arith.constant 0 : i32
    %dma_start3A_113 = tpu.memref_slice %arg4[%add3A_109, %dma_start3A_112] : memref<1048576x16xf32, #tpu.memory_space<hbm>> -> memref<512x16xf32, #tpu.memory_space<hbm>>
    tpu.enqueue_dma source(%arg17 : memref<512x16xf32, #tpu.memory_space<vmem>>) target(%dma_start3A_113 : memref<512x16xf32, #tpu.memory_space<hbm>>) target_semaphore(%arg33 : memref<!tpu.dma_semaphore, #tpu.memory_space<semaphore_mem>>)
    %scan3A_114 = arith.constant 0 : i32
    %scan3A_115 = arith.constant 0 : i32
    %scan3A_116 = arith.constant 32 : i32
    %scan3A_117 = arith.addi %scan3A_115, %scan3A_116 : i32
    %scan3A_118 = arith.constant 1 : i32
    scf.for %scan3A_237 = %scan3A_115 to %scan3A_117 step %scan3A_118  : i32 {
      %add3A_238 = arith.constant 224 : i32
      %add3A_239 = arith.addi %add3A_238, %scan3A_237 : i32
      %and3A_240 = arith.constant 1023 : i32
      %and3A_241 = arith.andi %add3A_239, %and3A_240 : i32
      %shift_right_arithmetic3A_242 = arith.constant 3 : i32
      %shift_right_arithmetic3A_243 = arith.shrsi %and3A_241, %shift_right_arithmetic3A_242 : i32
      %shift_left3A = arith.constant 3 : i32
      %shift_left3A_244 = arith.shli %shift_right_arithmetic3A_243, %shift_left3A : i32
      %and3A_245 = arith.constant 3 : i32
      %and3A_246 = arith.andi %and3A_241, %and3A_245 : i32
      %mul3A_247 = arith.constant 2 : i32
      %mul3A_248 = arith.muli %and3A_246, %mul3A_247 : i32
      %add3A_249 = arith.addi %shift_left3A_244, %mul3A_248 : i32
      %add3A_250 = vector.broadcast %add3A_249 : i32 to vector<16xi32>
      %add3A_251 = arith.addi %add3A_250, %shift_right_arithmetic3A_6 : vector<16xi32>
      %gather3A = tpu.vector_load_idx %arg6[%add3A_251] : memref<1024xi32, #tpu.memory_space<vmem>>[vector<16xi32>], vector<16xi32>,
      %shift_right_arithmetic3A_252 = arith.constant 2 : i32
      %shift_right_arithmetic3A_253 = arith.shrsi %and3A_241, %shift_right_arithmetic3A_252 : i32
      %and3A_254 = arith.constant 1 : i32
      %and3A_255 = arith.andi %shift_right_arithmetic3A_253, %and3A_254 : i32
      %shift_left3A_256 = arith.constant 8 : i32
      %shift_left3A_257 = arith.shli %and3A_255, %shift_left3A_256 : i32
      %shift_right_arithmetic3A_258 = arith.constant 10 : i32
      %shift_right_arithmetic3A_259 = arith.shrsi %add3A_239, %shift_right_arithmetic3A_258 : i32
      %mul3A_260 = arith.constant 16384 : i32
      %mul3A_261 = arith.muli %shift_right_arithmetic3A_259, %mul3A_260 : i32
      %add3A_262 = arith.addi %mul3A_261, %mul3A_4 : i32
      %add3A_263 = arith.addi %shift_left3A_257, %add3A_262 : i32
      %add3A_264 = arith.addi %gather3A, %mul3A_11 : vector<16xi32>
      %add3A_265 = vector.broadcast %add3A_263 : i32 to vector<16xi32>
      %add3A_266 = arith.addi %add3A_264, %add3A_265 : vector<16xi32>
      %mul3A_267 = arith.constant 16 : i32
      %mul3A_268 = arith.muli %scan3A_237, %mul3A_267 : i32
      %swap3A = arith.index_cast %mul3A_268 : i32 to index
      %swap3A_269 = tpu.vector_load %arg14[%swap3A] {strides = array<i32>} : memref<512xi32, #tpu.memory_space<vmem>>, vector<16xi32>,
      tpu.vector_store %arg14[%swap3A], %add3A_266 {strides = array<i32>} : memref<512xi32, #tpu.memory_space<vmem>>, vector<16xi32>,
    }
    %scan3A_119 = arith.constant 32 : i32
    %dma_start3A_120 = arith.constant 0 : i32
    %dma_start3A_121 = arith.constant 0 : i32
    %dma_start3A_122 = tpu.memref_slice %arg2[%dma_start3A_120, %dma_start3A_121] : memref<1048576x16xf32, #tpu.memory_space<hbm>> -> memref<1048576x16xf32, #tpu.memory_space<hbm>>
    tpu.enqueue_indirect_dma source(%dma_start3A_122 : memref<1048576x16xf32, #tpu.memory_space<hbm>>) target(%arg22 : memref<512x16xf32, #tpu.memory_space<vmem>>) offsets(%arg14 : memref<512xi32, #tpu.memory_space<vmem>>) semaphore(%arg30 : memref<!tpu.dma_semaphore, #tpu.memory_space<semaphore_mem>>)
    %scan3A_123 = arith.constant 0 : i32
    %scan3A_124 = arith.constant 0 : i32
    %scan3A_125 = arith.constant 7 : i32
    %scan3A_126 = arith.addi %scan3A_124, %scan3A_125 : i32
    %scan3A_127 = arith.constant 1 : i32
    scf.for %scan3A_237 = %scan3A_124 to %scan3A_126 step %scan3A_127  : i32 {
      %mul3A_238 = arith.constant 8 : i32
      %mul3A_239 = arith.muli %scan3A_237, %mul3A_238 : i32
      %add3A_240 = arith.constant 3 : i32
      %add3A_241 = arith.addi %add3A_240, %mul3A_239 : i32
      %add3A_242 = arith.constant 0 : i32
      %add3A_243 = arith.addi %add3A_241, %add3A_242 : i32
      %dma_wait3A_244 = arith.constant 0 : i32
      %dma_wait3A_245 = arith.constant 0 : i32
      %dma_wait3A_246 = tpu.memref_slice %arg2[%dma_wait3A_244, %dma_wait3A_245] : memref<1048576x16xf32, #tpu.memory_space<hbm>> -> memref<512x16xf32, #tpu.memory_space<hbm>>
      %dma_wait3A_247 = arith.constant 0 : i32
      %dma_wait3A_248 = arith.constant 0 : i32
      %dma_wait3A_249 = tpu.memref_slice %arg2[%dma_wait3A_247, %dma_wait3A_248] : memref<1048576x16xf32, #tpu.memory_space<hbm>> -> memref<512x16xf32, #tpu.memory_space<hbm>>
      tpu.wait_dma2 semaphore(%arg26 : memref<!tpu.dma_semaphore, #tpu.memory_space<semaphore_mem>>) src(%dma_wait3A_249 : memref<512x16xf32, #tpu.memory_space<hbm>>) dst(%arg18 : memref<512x16xf32, #tpu.memory_space<vmem>>)
      %mul3A_250 = arith.constant 512 : i32
      %mul3A_251 = arith.muli %add3A_243, %mul3A_250 : i32
      %add3A_252 = arith.addi %mul3A_4, %mul3A_251 : i32
      %dma_start3A_253 = arith.constant 0 : i32
      %dma_start3A_254 = tpu.memref_slice %arg4[%add3A_252, %dma_start3A_253] : memref<1048576x16xf32, #tpu.memory_space<hbm>> -> memref<512x16xf32, #tpu.memory_space<hbm>>
      %dma_start3A_255 = arith.constant 0 : i32
      %dma_start3A_256 = tpu.memref_slice %arg4[%add3A_252, %dma_start3A_255] : memref<1048576x16xf32, #tpu.memory_space<hbm>> -> memref<512x16xf32, #tpu.memory_space<hbm>>
      tpu.enqueue_dma source(%arg18 : memref<512x16xf32, #tpu.memory_space<vmem>>) target(%dma_start3A_256 : memref<512x16xf32, #tpu.memory_space<hbm>>) target_semaphore(%arg34 : memref<!tpu.dma_semaphore, #tpu.memory_space<semaphore_mem>>)
      %sub3A = arith.constant 3 : i32
      %sub3A_257 = arith.subi %add3A_243, %sub3A : i32
      %mul3A_258 = arith.constant 512 : i32
      %mul3A_259 = arith.muli %sub3A_257, %mul3A_258 : i32
      %add3A_260 = arith.addi %mul3A_4, %mul3A_259 : i32
      %dma_wait3A_261 = arith.constant 0 : i32
      %dma_wait3A_262 = tpu.memref_slice %arg4[%add3A_260, %dma_wait3A_261] : memref<1048576x16xf32, #tpu.memory_space<hbm>> -> memref<512x16xf32, #tpu.memory_space<hbm>>
      %dma_wait3A_263 = arith.constant 0 : i32
      %dma_wait3A_264 = tpu.memref_slice %arg4[%add3A_260, %dma_wait3A_263] : memref<1048576x16xf32, #tpu.memory_space<hbm>> -> memref<512x16xf32, #tpu.memory_space<hbm>>
      tpu.wait_dma2 semaphore(%arg31 : memref<!tpu.dma_semaphore, #tpu.memory_space<semaphore_mem>>) src(%arg15 : memref<512x16xf32, #tpu.memory_space<vmem>>) dst(%dma_wait3A_264 : memref<512x16xf32, #tpu.memory_space<hbm>>)
      %add3A_265 = arith.constant 5 : i32
      %add3A_266 = arith.addi %add3A_243, %add3A_265 : i32
      %scan3A_267 = arith.constant 0 : i32
      %scan3A_268 = arith.constant 0 : i32
      %scan3A_269 = arith.constant 32 : i32
      %scan3A_270 = arith.addi %scan3A_268, %scan3A_269 : i32
      %scan3A_271 = arith.constant 1 : i32
      scf.for %scan3A_549 = %scan3A_268 to %scan3A_270 step %scan3A_271  : i32 {
        %mul3A_550 = arith.constant 32 : i32
        %mul3A_551 = arith.muli %add3A_266, %mul3A_550 : i32
        %add3A_552 = arith.addi %mul3A_551, %scan3A_549 : i32
        %and3A_553 = arith.constant 1023 : i32
        %and3A_554 = arith.andi %add3A_552, %and3A_553 : i32
        %shift_right_arithmetic3A_555 = arith.constant 3 : i32
        %shift_right_arithmetic3A_556 = arith.shrsi %and3A_554, %shift_right_arithmetic3A_555 : i32
        %shift_left3A = arith.constant 3 : i32
        %shift_left3A_557 = arith.shli %shift_right_arithmetic3A_556, %shift_left3A : i32
        %and3A_558 = arith.constant 3 : i32
        %and3A_559 = arith.andi %and3A_554, %and3A_558 : i32
        %mul3A_560 = arith.constant 2 : i32
        %mul3A_561 = arith.muli %and3A_559, %mul3A_560 : i32
        %add3A_562 = arith.addi %shift_left3A_557, %mul3A_561 : i32
        %add3A_563 = vector.broadcast %add3A_562 : i32 to vector<16xi32>
        %add3A_564 = arith.addi %add3A_563, %shift_right_arithmetic3A_6 : vector<16xi32>
        %gather3A = tpu.vector_load_idx %arg6[%add3A_564] : memref<1024xi32, #tpu.memory_space<vmem>>[vector<16xi32>], vector<16xi32>,
        %shift_right_arithmetic3A_565 = arith.constant 2 : i32
        %shift_right_arithmetic3A_566 = arith.shrsi %and3A_554, %shift_right_arithmetic3A_565 : i32
        %and3A_567 = arith.constant 1 : i32
        %and3A_568 = arith.andi %shift_right_arithmetic3A_566, %and3A_567 : i32
        %shift_left3A_569 = arith.constant 8 : i32
        %shift_left3A_570 = arith.shli %and3A_568, %shift_left3A_569 : i32
        %shift_right_arithmetic3A_571 = arith.constant 10 : i32
        %shift_right_arithmetic3A_572 = arith.shrsi %add3A_552, %shift_right_arithmetic3A_571 : i32
        %mul3A_573 = arith.constant 16384 : i32
        %mul3A_574 = arith.muli %shift_right_arithmetic3A_572, %mul3A_573 : i32
        %add3A_575 = arith.addi %mul3A_574, %mul3A_4 : i32
        %add3A_576 = arith.addi %shift_left3A_570, %add3A_575 : i32
        %add3A_577 = arith.addi %gather3A, %mul3A_11 : vector<16xi32>
        %add3A_578 = vector.broadcast %add3A_576 : i32 to vector<16xi32>
        %add3A_579 = arith.addi %add3A_577, %add3A_578 : vector<16xi32>
        %mul3A_580 = arith.constant 16 : i32
        %mul3A_581 = arith.muli %scan3A_549, %mul3A_580 : i32
        %swap3A = arith.index_cast %mul3A_581 : i32 to index
        %swap3A_582 = tpu.vector_load %arg7[%swap3A] {strides = array<i32>} : memref<512xi32, #tpu.memory_space<vmem>>, vector<16xi32>,
        tpu.vector_store %arg7[%swap3A], %add3A_579 {strides = array<i32>} : memref<512xi32, #tpu.memory_space<vmem>>, vector<16xi32>,
      }
      %scan3A_272 = arith.constant 32 : i32
      %dma_start3A_273 = arith.constant 0 : i32
      %dma_start3A_274 = arith.constant 0 : i32
      %dma_start3A_275 = tpu.memref_slice %arg2[%dma_start3A_273, %dma_start3A_274] : memref<1048576x16xf32, #tpu.memory_space<hbm>> -> memref<1048576x16xf32, #tpu.memory_space<hbm>>
      tpu.enqueue_indirect_dma source(%dma_start3A_275 : memref<1048576x16xf32, #tpu.memory_space<hbm>>) target(%arg15 : memref<512x16xf32, #tpu.memory_space<vmem>>) offsets(%arg7 : memref<512xi32, #tpu.memory_space<vmem>>) semaphore(%arg23 : memref<!tpu.dma_semaphore, #tpu.memory_space<semaphore_mem>>)
      %mul3A_276 = arith.constant 8 : i32
      %mul3A_277 = arith.muli %scan3A_237, %mul3A_276 : i32
      %add3A_278 = arith.constant 3 : i32
      %add3A_279 = arith.addi %add3A_278, %mul3A_277 : i32
      %add3A_280 = arith.constant 1 : i32
      %add3A_281 = arith.addi %add3A_279, %add3A_280 : i32
      %dma_wait3A_282 = arith.constant 0 : i32
      %dma_wait3A_283 = arith.constant 0 : i32
      %dma_wait3A_284 = tpu.memref_slice %arg2[%dma_wait3A_282, %dma_wait3A_283] : memref<1048576x16xf32, #tpu.memory_space<hbm>> -> memref<512x16xf32, #tpu.memory_space<hbm>>
      %dma_wait3A_285 = arith.constant 0 : i32
      %dma_wait3A_286 = arith.constant 0 : i32
      %dma_wait3A_287 = tpu.memref_slice %arg2[%dma_wait3A_285, %dma_wait3A_286] : memref<1048576x16xf32, #tpu.memory_space<hbm>> -> memref<512x16xf32, #tpu.memory_space<hbm>>
      tpu.wait_dma2 semaphore(%arg27 : memref<!tpu.dma_semaphore, #tpu.memory_space<semaphore_mem>>) src(%dma_wait3A_287 : memref<512x16xf32, #tpu.memory_space<hbm>>) dst(%arg19 : memref<512x16xf32, #tpu.memory_space<vmem>>)
      %mul3A_288 = arith.constant 512 : i32
      %mul3A_289 = arith.muli %add3A_281, %mul3A_288 : i32
      %add3A_290 = arith.addi %mul3A_4, %mul3A_289 : i32
      %dma_start3A_291 = arith.constant 0 : i32
      %dma_start3A_292 = tpu.memref_slice %arg4[%add3A_290, %dma_start3A_291] : memref<1048576x16xf32, #tpu.memory_space<hbm>> -> memref<512x16xf32, #tpu.memory_space<hbm>>
      %dma_start3A_293 = arith.constant 0 : i32
      %dma_start3A_294 = tpu.memref_slice %arg4[%add3A_290, %dma_start3A_293] : memref<1048576x16xf32, #tpu.memory_space<hbm>> -> memref<512x16xf32, #tpu.memory_space<hbm>>
      tpu.enqueue_dma source(%arg19 : memref<512x16xf32, #tpu.memory_space<vmem>>) target(%dma_start3A_294 : memref<512x16xf32, #tpu.memory_space<hbm>>) target_semaphore(%arg35 : memref<!tpu.dma_semaphore, #tpu.memory_space<semaphore_mem>>)
      %sub3A_295 = arith.constant 3 : i32
      %sub3A_296 = arith.subi %add3A_281, %sub3A_295 : i32
      %mul3A_297 = arith.constant 512 : i32
      %mul3A_298 = arith.muli %sub3A_296, %mul3A_297 : i32
      %add3A_299 = arith.addi %mul3A_4, %mul3A_298 : i32
      %dma_wait3A_300 = arith.constant 0 : i32
      %dma_wait3A_301 = tpu.memref_slice %arg4[%add3A_299, %dma_wait3A_300] : memref<1048576x16xf32, #tpu.memory_space<hbm>> -> memref<512x16xf32, #tpu.memory_space<hbm>>
      %dma_wait3A_302 = arith.constant 0 : i32
      %dma_wait3A_303 = tpu.memref_slice %arg4[%add3A_299, %dma_wait3A_302] : memref<1048576x16xf32, #tpu.memory_space<hbm>> -> memref<512x16xf32, #tpu.memory_space<hbm>>
      tpu.wait_dma2 semaphore(%arg32 : memref<!tpu.dma_semaphore, #tpu.memory_space<semaphore_mem>>) src(%arg16 : memref<512x16xf32, #tpu.memory_space<vmem>>) dst(%dma_wait3A_303 : memref<512x16xf32, #tpu.memory_space<hbm>>)
      %add3A_304 = arith.constant 5 : i32
      %add3A_305 = arith.addi %add3A_281, %add3A_304 : i32
      %scan3A_306 = arith.constant 0 : i32
      %scan3A_307 = arith.constant 0 : i32
      %scan3A_308 = arith.constant 32 : i32
      %scan3A_309 = arith.addi %scan3A_307, %scan3A_308 : i32
      %scan3A_310 = arith.constant 1 : i32
      scf.for %scan3A_549 = %scan3A_307 to %scan3A_309 step %scan3A_310  : i32 {
        %mul3A_550 = arith.constant 32 : i32
        %mul3A_551 = arith.muli %add3A_305, %mul3A_550 : i32
        %add3A_552 = arith.addi %mul3A_551, %scan3A_549 : i32
        %and3A_553 = arith.constant 1023 : i32
        %and3A_554 = arith.andi %add3A_552, %and3A_553 : i32
        %shift_right_arithmetic3A_555 = arith.constant 3 : i32
        %shift_right_arithmetic3A_556 = arith.shrsi %and3A_554, %shift_right_arithmetic3A_555 : i32
        %shift_left3A = arith.constant 3 : i32
        %shift_left3A_557 = arith.shli %shift_right_arithmetic3A_556, %shift_left3A : i32
        %and3A_558 = arith.constant 3 : i32
        %and3A_559 = arith.andi %and3A_554, %and3A_558 : i32
        %mul3A_560 = arith.constant 2 : i32
        %mul3A_561 = arith.muli %and3A_559, %mul3A_560 : i32
        %add3A_562 = arith.addi %shift_left3A_557, %mul3A_561 : i32
        %add3A_563 = vector.broadcast %add3A_562 : i32 to vector<16xi32>
        %add3A_564 = arith.addi %add3A_563, %shift_right_arithmetic3A_6 : vector<16xi32>
        %gather3A = tpu.vector_load_idx %arg6[%add3A_564] : memref<1024xi32, #tpu.memory_space<vmem>>[vector<16xi32>], vector<16xi32>,
        %shift_right_arithmetic3A_565 = arith.constant 2 : i32
        %shift_right_arithmetic3A_566 = arith.shrsi %and3A_554, %shift_right_arithmetic3A_565 : i32
        %and3A_567 = arith.constant 1 : i32
        %and3A_568 = arith.andi %shift_right_arithmetic3A_566, %and3A_567 : i32
        %shift_left3A_569 = arith.constant 8 : i32
        %shift_left3A_570 = arith.shli %and3A_568, %shift_left3A_569 : i32
        %shift_right_arithmetic3A_571 = arith.constant 10 : i32
        %shift_right_arithmetic3A_572 = arith.shrsi %add3A_552, %shift_right_arithmetic3A_571 : i32
        %mul3A_573 = arith.constant 16384 : i32
        %mul3A_574 = arith.muli %shift_right_arithmetic3A_572, %mul3A_573 : i32
        %add3A_575 = arith.addi %mul3A_574, %mul3A_4 : i32
        %add3A_576 = arith.addi %shift_left3A_570, %add3A_575 : i32
        %add3A_577 = arith.addi %gather3A, %mul3A_11 : vector<16xi32>
        %add3A_578 = vector.broadcast %add3A_576 : i32 to vector<16xi32>
        %add3A_579 = arith.addi %add3A_577, %add3A_578 : vector<16xi32>
        %mul3A_580 = arith.constant 16 : i32
        %mul3A_581 = arith.muli %scan3A_549, %mul3A_580 : i32
        %swap3A = arith.index_cast %mul3A_581 : i32 to index
        %swap3A_582 = tpu.vector_load %arg8[%swap3A] {strides = array<i32>} : memref<512xi32, #tpu.memory_space<vmem>>, vector<16xi32>,
        tpu.vector_store %arg8[%swap3A], %add3A_579 {strides = array<i32>} : memref<512xi32, #tpu.memory_space<vmem>>, vector<16xi32>,
      }
      %scan3A_311 = arith.constant 32 : i32
      %dma_start3A_312 = arith.constant 0 : i32
      %dma_start3A_313 = arith.constant 0 : i32
      %dma_start3A_314 = tpu.memref_slice %arg2[%dma_start3A_312, %dma_start3A_313] : memref<1048576x16xf32, #tpu.memory_space<hbm>> -> memref<1048576x16xf32, #tpu.memory_space<hbm>>
      tpu.enqueue_indirect_dma source(%dma_start3A_314 : memref<1048576x16xf32, #tpu.memory_space<hbm>>) target(%arg16 : memref<512x16xf32, #tpu.memory_space<vmem>>) offsets(%arg8 : memref<512xi32, #tpu.memory_space<vmem>>) semaphore(%arg24 : memref<!tpu.dma_semaphore, #tpu.memory_space<semaphore_mem>>)
      %mul3A_315 = arith.constant 8 : i32
      %mul3A_316 = arith.muli %scan3A_237, %mul3A_315 : i32
      %add3A_317 = arith.constant 3 : i32
      %add3A_318 = arith.addi %add3A_317, %mul3A_316 : i32
      %add3A_319 = arith.constant 2 : i32
      %add3A_320 = arith.addi %add3A_318, %add3A_319 : i32
      %dma_wait3A_321 = arith.constant 0 : i32
      %dma_wait3A_322 = arith.constant 0 : i32
      %dma_wait3A_323 = tpu.memref_slice %arg2[%dma_wait3A_321, %dma_wait3A_322] : memref<1048576x16xf32, #tpu.memory_space<hbm>> -> memref<512x16xf32, #tpu.memory_space<hbm>>
      %dma_wait3A_324 = arith.constant 0 : i32
      %dma_wait3A_325 = arith.constant 0 : i32
      %dma_wait3A_326 = tpu.memref_slice %arg2[%dma_wait3A_324, %dma_wait3A_325] : memref<1048576x16xf32, #tpu.memory_space<hbm>> -> memref<512x16xf32, #tpu.memory_space<hbm>>
      tpu.wait_dma2 semaphore(%arg28 : memref<!tpu.dma_semaphore, #tpu.memory_space<semaphore_mem>>) src(%dma_wait3A_326 : memref<512x16xf32, #tpu.memory_space<hbm>>) dst(%arg20 : memref<512x16xf32, #tpu.memory_space<vmem>>)
      %mul3A_327 = arith.constant 512 : i32
      %mul3A_328 = arith.muli %add3A_320, %mul3A_327 : i32
      %add3A_329 = arith.addi %mul3A_4, %mul3A_328 : i32
      %dma_start3A_330 = arith.constant 0 : i32
      %dma_start3A_331 = tpu.memref_slice %arg4[%add3A_329, %dma_start3A_330] : memref<1048576x16xf32, #tpu.memory_space<hbm>> -> memref<512x16xf32, #tpu.memory_space<hbm>>
      %dma_start3A_332 = arith.constant 0 : i32
      %dma_start3A_333 = tpu.memref_slice %arg4[%add3A_329, %dma_start3A_332] : memref<1048576x16xf32, #tpu.memory_space<hbm>> -> memref<512x16xf32, #tpu.memory_space<hbm>>
      tpu.enqueue_dma source(%arg20 : memref<512x16xf32, #tpu.memory_space<vmem>>) target(%dma_start3A_333 : memref<512x16xf32, #tpu.memory_space<hbm>>) target_semaphore(%arg36 : memref<!tpu.dma_semaphore, #tpu.memory_space<semaphore_mem>>)
      %sub3A_334 = arith.constant 3 : i32
      %sub3A_335 = arith.subi %add3A_320, %sub3A_334 : i32
      %mul3A_336 = arith.constant 512 : i32
      %mul3A_337 = arith.muli %sub3A_335, %mul3A_336 : i32
      %add3A_338 = arith.addi %mul3A_4, %mul3A_337 : i32
      %dma_wait3A_339 = arith.constant 0 : i32
      %dma_wait3A_340 = tpu.memref_slice %arg4[%add3A_338, %dma_wait3A_339] : memref<1048576x16xf32, #tpu.memory_space<hbm>> -> memref<512x16xf32, #tpu.memory_space<hbm>>
      %dma_wait3A_341 = arith.constant 0 : i32
      %dma_wait3A_342 = tpu.memref_slice %arg4[%add3A_338, %dma_wait3A_341] : memref<1048576x16xf32, #tpu.memory_space<hbm>> -> memref<512x16xf32, #tpu.memory_space<hbm>>
      tpu.wait_dma2 semaphore(%arg33 : memref<!tpu.dma_semaphore, #tpu.memory_space<semaphore_mem>>) src(%arg17 : memref<512x16xf32, #tpu.memory_space<vmem>>) dst(%dma_wait3A_342 : memref<512x16xf32, #tpu.memory_space<hbm>>)
      %add3A_343 = arith.constant 5 : i32
      %add3A_344 = arith.addi %add3A_320, %add3A_343 : i32
      %scan3A_345 = arith.constant 0 : i32
      %scan3A_346 = arith.constant 0 : i32
      %scan3A_347 = arith.constant 32 : i32
      %scan3A_348 = arith.addi %scan3A_346, %scan3A_347 : i32
      %scan3A_349 = arith.constant 1 : i32
      scf.for %scan3A_549 = %scan3A_346 to %scan3A_348 step %scan3A_349  : i32 {
        %mul3A_550 = arith.constant 32 : i32
        %mul3A_551 = arith.muli %add3A_344, %mul3A_550 : i32
        %add3A_552 = arith.addi %mul3A_551, %scan3A_549 : i32
        %and3A_553 = arith.constant 1023 : i32
        %and3A_554 = arith.andi %add3A_552, %and3A_553 : i32
        %shift_right_arithmetic3A_555 = arith.constant 3 : i32
        %shift_right_arithmetic3A_556 = arith.shrsi %and3A_554, %shift_right_arithmetic3A_555 : i32
        %shift_left3A = arith.constant 3 : i32
        %shift_left3A_557 = arith.shli %shift_right_arithmetic3A_556, %shift_left3A : i32
        %and3A_558 = arith.constant 3 : i32
        %and3A_559 = arith.andi %and3A_554, %and3A_558 : i32
        %mul3A_560 = arith.constant 2 : i32
        %mul3A_561 = arith.muli %and3A_559, %mul3A_560 : i32
        %add3A_562 = arith.addi %shift_left3A_557, %mul3A_561 : i32
        %add3A_563 = vector.broadcast %add3A_562 : i32 to vector<16xi32>
        %add3A_564 = arith.addi %add3A_563, %shift_right_arithmetic3A_6 : vector<16xi32>
        %gather3A = tpu.vector_load_idx %arg6[%add3A_564] : memref<1024xi32, #tpu.memory_space<vmem>>[vector<16xi32>], vector<16xi32>,
        %shift_right_arithmetic3A_565 = arith.constant 2 : i32
        %shift_right_arithmetic3A_566 = arith.shrsi %and3A_554, %shift_right_arithmetic3A_565 : i32
        %and3A_567 = arith.constant 1 : i32
        %and3A_568 = arith.andi %shift_right_arithmetic3A_566, %and3A_567 : i32
        %shift_left3A_569 = arith.constant 8 : i32
        %shift_left3A_570 = arith.shli %and3A_568, %shift_left3A_569 : i32
        %shift_right_arithmetic3A_571 = arith.constant 10 : i32
        %shift_right_arithmetic3A_572 = arith.shrsi %add3A_552, %shift_right_arithmetic3A_571 : i32
        %mul3A_573 = arith.constant 16384 : i32
        %mul3A_574 = arith.muli %shift_right_arithmetic3A_572, %mul3A_573 : i32
        %add3A_575 = arith.addi %mul3A_574, %mul3A_4 : i32
        %add3A_576 = arith.addi %shift_left3A_570, %add3A_575 : i32
        %add3A_577 = arith.addi %gather3A, %mul3A_11 : vector<16xi32>
        %add3A_578 = vector.broadcast %add3A_576 : i32 to vector<16xi32>
        %add3A_579 = arith.addi %add3A_577, %add3A_578 : vector<16xi32>
        %mul3A_580 = arith.constant 16 : i32
        %mul3A_581 = arith.muli %scan3A_549, %mul3A_580 : i32
        %swap3A = arith.index_cast %mul3A_581 : i32 to index
        %swap3A_582 = tpu.vector_load %arg9[%swap3A] {strides = array<i32>} : memref<512xi32, #tpu.memory_space<vmem>>, vector<16xi32>,
        tpu.vector_store %arg9[%swap3A], %add3A_579 {strides = array<i32>} : memref<512xi32, #tpu.memory_space<vmem>>, vector<16xi32>,
      }
      %scan3A_350 = arith.constant 32 : i32
      %dma_start3A_351 = arith.constant 0 : i32
      %dma_start3A_352 = arith.constant 0 : i32
      %dma_start3A_353 = tpu.memref_slice %arg2[%dma_start3A_351, %dma_start3A_352] : memref<1048576x16xf32, #tpu.memory_space<hbm>> -> memref<1048576x16xf32, #tpu.memory_space<hbm>>
      tpu.enqueue_indirect_dma source(%dma_start3A_353 : memref<1048576x16xf32, #tpu.memory_space<hbm>>) target(%arg17 : memref<512x16xf32, #tpu.memory_space<vmem>>) offsets(%arg9 : memref<512xi32, #tpu.memory_space<vmem>>) semaphore(%arg25 : memref<!tpu.dma_semaphore, #tpu.memory_space<semaphore_mem>>)
      %mul3A_354 = arith.constant 8 : i32
      %mul3A_355 = arith.muli %scan3A_237, %mul3A_354 : i32
      %add3A_356 = arith.constant 3 : i32
      %add3A_357 = arith.addi %add3A_356, %mul3A_355 : i32
      %add3A_358 = arith.constant 3 : i32
      %add3A_359 = arith.addi %add3A_357, %add3A_358 : i32
      %dma_wait3A_360 = arith.constant 0 : i32
      %dma_wait3A_361 = arith.constant 0 : i32
      %dma_wait3A_362 = tpu.memref_slice %arg2[%dma_wait3A_360, %dma_wait3A_361] : memref<1048576x16xf32, #tpu.memory_space<hbm>> -> memref<512x16xf32, #tpu.memory_space<hbm>>
      %dma_wait3A_363 = arith.constant 0 : i32
      %dma_wait3A_364 = arith.constant 0 : i32
      %dma_wait3A_365 = tpu.memref_slice %arg2[%dma_wait3A_363, %dma_wait3A_364] : memref<1048576x16xf32, #tpu.memory_space<hbm>> -> memref<512x16xf32, #tpu.memory_space<hbm>>
      tpu.wait_dma2 semaphore(%arg29 : memref<!tpu.dma_semaphore, #tpu.memory_space<semaphore_mem>>) src(%dma_wait3A_365 : memref<512x16xf32, #tpu.memory_space<hbm>>) dst(%arg21 : memref<512x16xf32, #tpu.memory_space<vmem>>)
      %mul3A_366 = arith.constant 512 : i32
      %mul3A_367 = arith.muli %add3A_359, %mul3A_366 : i32
      %add3A_368 = arith.addi %mul3A_4, %mul3A_367 : i32
      %dma_start3A_369 = arith.constant 0 : i32
      %dma_start3A_370 = tpu.memref_slice %arg4[%add3A_368, %dma_start3A_369] : memref<1048576x16xf32, #tpu.memory_space<hbm>> -> memref<512x16xf32, #tpu.memory_space<hbm>>
      %dma_start3A_371 = arith.constant 0 : i32
      %dma_start3A_372 = tpu.memref_slice %arg4[%add3A_368, %dma_start3A_371] : memref<1048576x16xf32, #tpu.memory_space<hbm>> -> memref<512x16xf32, #tpu.memory_space<hbm>>
      tpu.enqueue_dma source(%arg21 : memref<512x16xf32, #tpu.memory_space<vmem>>) target(%dma_start3A_372 : memref<512x16xf32, #tpu.memory_space<hbm>>) target_semaphore(%arg37 : memref<!tpu.dma_semaphore, #tpu.memory_space<semaphore_mem>>)
      %sub3A_373 = arith.constant 3 : i32
      %sub3A_374 = arith.subi %add3A_359, %sub3A_373 : i32
      %mul3A_375 = arith.constant 512 : i32
      %mul3A_376 = arith.muli %sub3A_374, %mul3A_375 : i32
      %add3A_377 = arith.addi %mul3A_4, %mul3A_376 : i32
      %dma_wait3A_378 = arith.constant 0 : i32
      %dma_wait3A_379 = tpu.memref_slice %arg4[%add3A_377, %dma_wait3A_378] : memref<1048576x16xf32, #tpu.memory_space<hbm>> -> memref<512x16xf32, #tpu.memory_space<hbm>>
      %dma_wait3A_380 = arith.constant 0 : i32
      %dma_wait3A_381 = tpu.memref_slice %arg4[%add3A_377, %dma_wait3A_380] : memref<1048576x16xf32, #tpu.memory_space<hbm>> -> memref<512x16xf32, #tpu.memory_space<hbm>>
      tpu.wait_dma2 semaphore(%arg34 : memref<!tpu.dma_semaphore, #tpu.memory_space<semaphore_mem>>) src(%arg18 : memref<512x16xf32, #tpu.memory_space<vmem>>) dst(%dma_wait3A_381 : memref<512x16xf32, #tpu.memory_space<hbm>>)
      %add3A_382 = arith.constant 5 : i32
      %add3A_383 = arith.addi %add3A_359, %add3A_382 : i32
      %scan3A_384 = arith.constant 0 : i32
      %scan3A_385 = arith.constant 0 : i32
      %scan3A_386 = arith.constant 32 : i32
      %scan3A_387 = arith.addi %scan3A_385, %scan3A_386 : i32
      %scan3A_388 = arith.constant 1 : i32
      scf.for %scan3A_549 = %scan3A_385 to %scan3A_387 step %scan3A_388  : i32 {
        %mul3A_550 = arith.constant 32 : i32
        %mul3A_551 = arith.muli %add3A_383, %mul3A_550 : i32
        %add3A_552 = arith.addi %mul3A_551, %scan3A_549 : i32
        %and3A_553 = arith.constant 1023 : i32
        %and3A_554 = arith.andi %add3A_552, %and3A_553 : i32
        %shift_right_arithmetic3A_555 = arith.constant 3 : i32
        %shift_right_arithmetic3A_556 = arith.shrsi %and3A_554, %shift_right_arithmetic3A_555 : i32
        %shift_left3A = arith.constant 3 : i32
        %shift_left3A_557 = arith.shli %shift_right_arithmetic3A_556, %shift_left3A : i32
        %and3A_558 = arith.constant 3 : i32
        %and3A_559 = arith.andi %and3A_554, %and3A_558 : i32
        %mul3A_560 = arith.constant 2 : i32
        %mul3A_561 = arith.muli %and3A_559, %mul3A_560 : i32
        %add3A_562 = arith.addi %shift_left3A_557, %mul3A_561 : i32
        %add3A_563 = vector.broadcast %add3A_562 : i32 to vector<16xi32>
        %add3A_564 = arith.addi %add3A_563, %shift_right_arithmetic3A_6 : vector<16xi32>
        %gather3A = tpu.vector_load_idx %arg6[%add3A_564] : memref<1024xi32, #tpu.memory_space<vmem>>[vector<16xi32>], vector<16xi32>,
        %shift_right_arithmetic3A_565 = arith.constant 2 : i32
        %shift_right_arithmetic3A_566 = arith.shrsi %and3A_554, %shift_right_arithmetic3A_565 : i32
        %and3A_567 = arith.constant 1 : i32
        %and3A_568 = arith.andi %shift_right_arithmetic3A_566, %and3A_567 : i32
        %shift_left3A_569 = arith.constant 8 : i32
        %shift_left3A_570 = arith.shli %and3A_568, %shift_left3A_569 : i32
        %shift_right_arithmetic3A_571 = arith.constant 10 : i32
        %shift_right_arithmetic3A_572 = arith.shrsi %add3A_552, %shift_right_arithmetic3A_571 : i32
        %mul3A_573 = arith.constant 16384 : i32
        %mul3A_574 = arith.muli %shift_right_arithmetic3A_572, %mul3A_573 : i32
        %add3A_575 = arith.addi %mul3A_574, %mul3A_4 : i32
        %add3A_576 = arith.addi %shift_left3A_570, %add3A_575 : i32
        %add3A_577 = arith.addi %gather3A, %mul3A_11 : vector<16xi32>
        %add3A_578 = vector.broadcast %add3A_576 : i32 to vector<16xi32>
        %add3A_579 = arith.addi %add3A_577, %add3A_578 : vector<16xi32>
        %mul3A_580 = arith.constant 16 : i32
        %mul3A_581 = arith.muli %scan3A_549, %mul3A_580 : i32
        %swap3A = arith.index_cast %mul3A_581 : i32 to index
        %swap3A_582 = tpu.vector_load %arg10[%swap3A] {strides = array<i32>} : memref<512xi32, #tpu.memory_space<vmem>>, vector<16xi32>,
        tpu.vector_store %arg10[%swap3A], %add3A_579 {strides = array<i32>} : memref<512xi32, #tpu.memory_space<vmem>>, vector<16xi32>,
      }
      %scan3A_389 = arith.constant 32 : i32
      %dma_start3A_390 = arith.constant 0 : i32
      %dma_start3A_391 = arith.constant 0 : i32
      %dma_start3A_392 = tpu.memref_slice %arg2[%dma_start3A_390, %dma_start3A_391] : memref<1048576x16xf32, #tpu.memory_space<hbm>> -> memref<1048576x16xf32, #tpu.memory_space<hbm>>
      tpu.enqueue_indirect_dma source(%dma_start3A_392 : memref<1048576x16xf32, #tpu.memory_space<hbm>>) target(%arg18 : memref<512x16xf32, #tpu.memory_space<vmem>>) offsets(%arg10 : memref<512xi32, #tpu.memory_space<vmem>>) semaphore(%arg26 : memref<!tpu.dma_semaphore, #tpu.memory_space<semaphore_mem>>)
      %mul3A_393 = arith.constant 8 : i32
      %mul3A_394 = arith.muli %scan3A_237, %mul3A_393 : i32
      %add3A_395 = arith.constant 3 : i32
      %add3A_396 = arith.addi %add3A_395, %mul3A_394 : i32
      %add3A_397 = arith.constant 4 : i32
      %add3A_398 = arith.addi %add3A_396, %add3A_397 : i32
      %dma_wait3A_399 = arith.constant 0 : i32
      %dma_wait3A_400 = arith.constant 0 : i32
      %dma_wait3A_401 = tpu.memref_slice %arg2[%dma_wait3A_399, %dma_wait3A_400] : memref<1048576x16xf32, #tpu.memory_space<hbm>> -> memref<512x16xf32, #tpu.memory_space<hbm>>
      %dma_wait3A_402 = arith.constant 0 : i32
      %dma_wait3A_403 = arith.constant 0 : i32
      %dma_wait3A_404 = tpu.memref_slice %arg2[%dma_wait3A_402, %dma_wait3A_403] : memref<1048576x16xf32, #tpu.memory_space<hbm>> -> memref<512x16xf32, #tpu.memory_space<hbm>>
      tpu.wait_dma2 semaphore(%arg30 : memref<!tpu.dma_semaphore, #tpu.memory_space<semaphore_mem>>) src(%dma_wait3A_404 : memref<512x16xf32, #tpu.memory_space<hbm>>) dst(%arg22 : memref<512x16xf32, #tpu.memory_space<vmem>>)
      %mul3A_405 = arith.constant 512 : i32
      %mul3A_406 = arith.muli %add3A_398, %mul3A_405 : i32
      %add3A_407 = arith.addi %mul3A_4, %mul3A_406 : i32
      %dma_start3A_408 = arith.constant 0 : i32
      %dma_start3A_409 = tpu.memref_slice %arg4[%add3A_407, %dma_start3A_408] : memref<1048576x16xf32, #tpu.memory_space<hbm>> -> memref<512x16xf32, #tpu.memory_space<hbm>>
      %dma_start3A_410 = arith.constant 0 : i32
      %dma_start3A_411 = tpu.memref_slice %arg4[%add3A_407, %dma_start3A_410] : memref<1048576x16xf32, #tpu.memory_space<hbm>> -> memref<512x16xf32, #tpu.memory_space<hbm>>
      tpu.enqueue_dma source(%arg22 : memref<512x16xf32, #tpu.memory_space<vmem>>) target(%dma_start3A_411 : memref<512x16xf32, #tpu.memory_space<hbm>>) target_semaphore(%arg38 : memref<!tpu.dma_semaphore, #tpu.memory_space<semaphore_mem>>)
      %sub3A_412 = arith.constant 3 : i32
      %sub3A_413 = arith.subi %add3A_398, %sub3A_412 : i32
      %mul3A_414 = arith.constant 512 : i32
      %mul3A_415 = arith.muli %sub3A_413, %mul3A_414 : i32
      %add3A_416 = arith.addi %mul3A_4, %mul3A_415 : i32
      %dma_wait3A_417 = arith.constant 0 : i32
      %dma_wait3A_418 = tpu.memref_slice %arg4[%add3A_416, %dma_wait3A_417] : memref<1048576x16xf32, #tpu.memory_space<hbm>> -> memref<512x16xf32, #tpu.memory_space<hbm>>
      %dma_wait3A_419 = arith.constant 0 : i32
      %dma_wait3A_420 = tpu.memref_slice %arg4[%add3A_416, %dma_wait3A_419] : memref<1048576x16xf32, #tpu.memory_space<hbm>> -> memref<512x16xf32, #tpu.memory_space<hbm>>
      tpu.wait_dma2 semaphore(%arg35 : memref<!tpu.dma_semaphore, #tpu.memory_space<semaphore_mem>>) src(%arg19 : memref<512x16xf32, #tpu.memory_space<vmem>>) dst(%dma_wait3A_420 : memref<512x16xf32, #tpu.memory_space<hbm>>)
      %add3A_421 = arith.constant 5 : i32
      %add3A_422 = arith.addi %add3A_398, %add3A_421 : i32
      %scan3A_423 = arith.constant 0 : i32
      %scan3A_424 = arith.constant 0 : i32
      %scan3A_425 = arith.constant 32 : i32
      %scan3A_426 = arith.addi %scan3A_424, %scan3A_425 : i32
      %scan3A_427 = arith.constant 1 : i32
      scf.for %scan3A_549 = %scan3A_424 to %scan3A_426 step %scan3A_427  : i32 {
        %mul3A_550 = arith.constant 32 : i32
        %mul3A_551 = arith.muli %add3A_422, %mul3A_550 : i32
        %add3A_552 = arith.addi %mul3A_551, %scan3A_549 : i32
        %and3A_553 = arith.constant 1023 : i32
        %and3A_554 = arith.andi %add3A_552, %and3A_553 : i32
        %shift_right_arithmetic3A_555 = arith.constant 3 : i32
        %shift_right_arithmetic3A_556 = arith.shrsi %and3A_554, %shift_right_arithmetic3A_555 : i32
        %shift_left3A = arith.constant 3 : i32
        %shift_left3A_557 = arith.shli %shift_right_arithmetic3A_556, %shift_left3A : i32
        %and3A_558 = arith.constant 3 : i32
        %and3A_559 = arith.andi %and3A_554, %and3A_558 : i32
        %mul3A_560 = arith.constant 2 : i32
        %mul3A_561 = arith.muli %and3A_559, %mul3A_560 : i32
        %add3A_562 = arith.addi %shift_left3A_557, %mul3A_561 : i32
        %add3A_563 = vector.broadcast %add3A_562 : i32 to vector<16xi32>
        %add3A_564 = arith.addi %add3A_563, %shift_right_arithmetic3A_6 : vector<16xi32>
        %gather3A = tpu.vector_load_idx %arg6[%add3A_564] : memref<1024xi32, #tpu.memory_space<vmem>>[vector<16xi32>], vector<16xi32>,
        %shift_right_arithmetic3A_565 = arith.constant 2 : i32
        %shift_right_arithmetic3A_566 = arith.shrsi %and3A_554, %shift_right_arithmetic3A_565 : i32
        %and3A_567 = arith.constant 1 : i32
        %and3A_568 = arith.andi %shift_right_arithmetic3A_566, %and3A_567 : i32
        %shift_left3A_569 = arith.constant 8 : i32
        %shift_left3A_570 = arith.shli %and3A_568, %shift_left3A_569 : i32
        %shift_right_arithmetic3A_571 = arith.constant 10 : i32
        %shift_right_arithmetic3A_572 = arith.shrsi %add3A_552, %shift_right_arithmetic3A_571 : i32
        %mul3A_573 = arith.constant 16384 : i32
        %mul3A_574 = arith.muli %shift_right_arithmetic3A_572, %mul3A_573 : i32
        %add3A_575 = arith.addi %mul3A_574, %mul3A_4 : i32
        %add3A_576 = arith.addi %shift_left3A_570, %add3A_575 : i32
        %add3A_577 = arith.addi %gather3A, %mul3A_11 : vector<16xi32>
        %add3A_578 = vector.broadcast %add3A_576 : i32 to vector<16xi32>
        %add3A_579 = arith.addi %add3A_577, %add3A_578 : vector<16xi32>
        %mul3A_580 = arith.constant 16 : i32
        %mul3A_581 = arith.muli %scan3A_549, %mul3A_580 : i32
        %swap3A = arith.index_cast %mul3A_581 : i32 to index
        %swap3A_582 = tpu.vector_load %arg11[%swap3A] {strides = array<i32>} : memref<512xi32, #tpu.memory_space<vmem>>, vector<16xi32>,
        tpu.vector_store %arg11[%swap3A], %add3A_579 {strides = array<i32>} : memref<512xi32, #tpu.memory_space<vmem>>, vector<16xi32>,
      }
      %scan3A_428 = arith.constant 32 : i32
      %dma_start3A_429 = arith.constant 0 : i32
      %dma_start3A_430 = arith.constant 0 : i32
      %dma_start3A_431 = tpu.memref_slice %arg2[%dma_start3A_429, %dma_start3A_430] : memref<1048576x16xf32, #tpu.memory_space<hbm>> -> memref<1048576x16xf32, #tpu.memory_space<hbm>>
      tpu.enqueue_indirect_dma source(%dma_start3A_431 : memref<1048576x16xf32, #tpu.memory_space<hbm>>) target(%arg19 : memref<512x16xf32, #tpu.memory_space<vmem>>) offsets(%arg11 : memref<512xi32, #tpu.memory_space<vmem>>) semaphore(%arg27 : memref<!tpu.dma_semaphore, #tpu.memory_space<semaphore_mem>>)
      %mul3A_432 = arith.constant 8 : i32
      %mul3A_433 = arith.muli %scan3A_237, %mul3A_432 : i32
      %add3A_434 = arith.constant 3 : i32
      %add3A_435 = arith.addi %add3A_434, %mul3A_433 : i32
      %add3A_436 = arith.constant 5 : i32
      %add3A_437 = arith.addi %add3A_435, %add3A_436 : i32
      %dma_wait3A_438 = arith.constant 0 : i32
      %dma_wait3A_439 = arith.constant 0 : i32
      %dma_wait3A_440 = tpu.memref_slice %arg2[%dma_wait3A_438, %dma_wait3A_439] : memref<1048576x16xf32, #tpu.memory_space<hbm>> -> memref<512x16xf32, #tpu.memory_space<hbm>>
      %dma_wait3A_441 = arith.constant 0 : i32
      %dma_wait3A_442 = arith.constant 0 : i32
      %dma_wait3A_443 = tpu.memref_slice %arg2[%dma_wait3A_441, %dma_wait3A_442] : memref<1048576x16xf32, #tpu.memory_space<hbm>> -> memref<512x16xf32, #tpu.memory_space<hbm>>
      tpu.wait_dma2 semaphore(%arg23 : memref<!tpu.dma_semaphore, #tpu.memory_space<semaphore_mem>>) src(%dma_wait3A_443 : memref<512x16xf32, #tpu.memory_space<hbm>>) dst(%arg15 : memref<512x16xf32, #tpu.memory_space<vmem>>)
      %mul3A_444 = arith.constant 512 : i32
      %mul3A_445 = arith.muli %add3A_437, %mul3A_444 : i32
      %add3A_446 = arith.addi %mul3A_4, %mul3A_445 : i32
      %dma_start3A_447 = arith.constant 0 : i32
      %dma_start3A_448 = tpu.memref_slice %arg4[%add3A_446, %dma_start3A_447] : memref<1048576x16xf32, #tpu.memory_space<hbm>> -> memref<512x16xf32, #tpu.memory_space<hbm>>
      %dma_start3A_449 = arith.constant 0 : i32
      %dma_start3A_450 = tpu.memref_slice %arg4[%add3A_446, %dma_start3A_449] : memref<1048576x16xf32, #tpu.memory_space<hbm>> -> memref<512x16xf32, #tpu.memory_space<hbm>>
      tpu.enqueue_dma source(%arg15 : memref<512x16xf32, #tpu.memory_space<vmem>>) target(%dma_start3A_450 : memref<512x16xf32, #tpu.memory_space<hbm>>) target_semaphore(%arg31 : memref<!tpu.dma_semaphore, #tpu.memory_space<semaphore_mem>>)
      %sub3A_451 = arith.constant 3 : i32
      %sub3A_452 = arith.subi %add3A_437, %sub3A_451 : i32
      %mul3A_453 = arith.constant 512 : i32
      %mul3A_454 = arith.muli %sub3A_452, %mul3A_453 : i32
      %add3A_455 = arith.addi %mul3A_4, %mul3A_454 : i32
      %dma_wait3A_456 = arith.constant 0 : i32
      %dma_wait3A_457 = tpu.memref_slice %arg4[%add3A_455, %dma_wait3A_456] : memref<1048576x16xf32, #tpu.memory_space<hbm>> -> memref<512x16xf32, #tpu.memory_space<hbm>>
      %dma_wait3A_458 = arith.constant 0 : i32
      %dma_wait3A_459 = tpu.memref_slice %arg4[%add3A_455, %dma_wait3A_458] : memref<1048576x16xf32, #tpu.memory_space<hbm>> -> memref<512x16xf32, #tpu.memory_space<hbm>>
      tpu.wait_dma2 semaphore(%arg36 : memref<!tpu.dma_semaphore, #tpu.memory_space<semaphore_mem>>) src(%arg20 : memref<512x16xf32, #tpu.memory_space<vmem>>) dst(%dma_wait3A_459 : memref<512x16xf32, #tpu.memory_space<hbm>>)
      %add3A_460 = arith.constant 5 : i32
      %add3A_461 = arith.addi %add3A_437, %add3A_460 : i32
      %scan3A_462 = arith.constant 0 : i32
      %scan3A_463 = arith.constant 0 : i32
      %scan3A_464 = arith.constant 32 : i32
      %scan3A_465 = arith.addi %scan3A_463, %scan3A_464 : i32
      %scan3A_466 = arith.constant 1 : i32
      scf.for %scan3A_549 = %scan3A_463 to %scan3A_465 step %scan3A_466  : i32 {
        %mul3A_550 = arith.constant 32 : i32
        %mul3A_551 = arith.muli %add3A_461, %mul3A_550 : i32
        %add3A_552 = arith.addi %mul3A_551, %scan3A_549 : i32
        %and3A_553 = arith.constant 1023 : i32
        %and3A_554 = arith.andi %add3A_552, %and3A_553 : i32
        %shift_right_arithmetic3A_555 = arith.constant 3 : i32
        %shift_right_arithmetic3A_556 = arith.shrsi %and3A_554, %shift_right_arithmetic3A_555 : i32
        %shift_left3A = arith.constant 3 : i32
        %shift_left3A_557 = arith.shli %shift_right_arithmetic3A_556, %shift_left3A : i32
        %and3A_558 = arith.constant 3 : i32
        %and3A_559 = arith.andi %and3A_554, %and3A_558 : i32
        %mul3A_560 = arith.constant 2 : i32
        %mul3A_561 = arith.muli %and3A_559, %mul3A_560 : i32
        %add3A_562 = arith.addi %shift_left3A_557, %mul3A_561 : i32
        %add3A_563 = vector.broadcast %add3A_562 : i32 to vector<16xi32>
        %add3A_564 = arith.addi %add3A_563, %shift_right_arithmetic3A_6 : vector<16xi32>
        %gather3A = tpu.vector_load_idx %arg6[%add3A_564] : memref<1024xi32, #tpu.memory_space<vmem>>[vector<16xi32>], vector<16xi32>,
        %shift_right_arithmetic3A_565 = arith.constant 2 : i32
        %shift_right_arithmetic3A_566 = arith.shrsi %and3A_554, %shift_right_arithmetic3A_565 : i32
        %and3A_567 = arith.constant 1 : i32
        %and3A_568 = arith.andi %shift_right_arithmetic3A_566, %and3A_567 : i32
        %shift_left3A_569 = arith.constant 8 : i32
        %shift_left3A_570 = arith.shli %and3A_568, %shift_left3A_569 : i32
        %shift_right_arithmetic3A_571 = arith.constant 10 : i32
        %shift_right_arithmetic3A_572 = arith.shrsi %add3A_552, %shift_right_arithmetic3A_571 : i32
        %mul3A_573 = arith.constant 16384 : i32
        %mul3A_574 = arith.muli %shift_right_arithmetic3A_572, %mul3A_573 : i32
        %add3A_575 = arith.addi %mul3A_574, %mul3A_4 : i32
        %add3A_576 = arith.addi %shift_left3A_570, %add3A_575 : i32
        %add3A_577 = arith.addi %gather3A, %mul3A_11 : vector<16xi32>
        %add3A_578 = vector.broadcast %add3A_576 : i32 to vector<16xi32>
        %add3A_579 = arith.addi %add3A_577, %add3A_578 : vector<16xi32>
        %mul3A_580 = arith.constant 16 : i32
        %mul3A_581 = arith.muli %scan3A_549, %mul3A_580 : i32
        %swap3A = arith.index_cast %mul3A_581 : i32 to index
        %swap3A_582 = tpu.vector_load %arg12[%swap3A] {strides = array<i32>} : memref<512xi32, #tpu.memory_space<vmem>>, vector<16xi32>,
        tpu.vector_store %arg12[%swap3A], %add3A_579 {strides = array<i32>} : memref<512xi32, #tpu.memory_space<vmem>>, vector<16xi32>,
      }
      %scan3A_467 = arith.constant 32 : i32
      %dma_start3A_468 = arith.constant 0 : i32
      %dma_start3A_469 = arith.constant 0 : i32
      %dma_start3A_470 = tpu.memref_slice %arg2[%dma_start3A_468, %dma_start3A_469] : memref<1048576x16xf32, #tpu.memory_space<hbm>> -> memref<1048576x16xf32, #tpu.memory_space<hbm>>
      tpu.enqueue_indirect_dma source(%dma_start3A_470 : memref<1048576x16xf32, #tpu.memory_space<hbm>>) target(%arg20 : memref<512x16xf32, #tpu.memory_space<vmem>>) offsets(%arg12 : memref<512xi32, #tpu.memory_space<vmem>>) semaphore(%arg28 : memref<!tpu.dma_semaphore, #tpu.memory_space<semaphore_mem>>)
      %mul3A_471 = arith.constant 8 : i32
      %mul3A_472 = arith.muli %scan3A_237, %mul3A_471 : i32
      %add3A_473 = arith.constant 3 : i32
      %add3A_474 = arith.addi %add3A_473, %mul3A_472 : i32
      %add3A_475 = arith.constant 6 : i32
      %add3A_476 = arith.addi %add3A_474, %add3A_475 : i32
      %dma_wait3A_477 = arith.constant 0 : i32
      %dma_wait3A_478 = arith.constant 0 : i32
      %dma_wait3A_479 = tpu.memref_slice %arg2[%dma_wait3A_477, %dma_wait3A_478] : memref<1048576x16xf32, #tpu.memory_space<hbm>> -> memref<512x16xf32, #tpu.memory_space<hbm>>
      %dma_wait3A_480 = arith.constant 0 : i32
      %dma_wait3A_481 = arith.constant 0 : i32
      %dma_wait3A_482 = tpu.memref_slice %arg2[%dma_wait3A_480, %dma_wait3A_481] : memref<1048576x16xf32, #tpu.memory_space<hbm>> -> memref<512x16xf32, #tpu.memory_space<hbm>>
      tpu.wait_dma2 semaphore(%arg24 : memref<!tpu.dma_semaphore, #tpu.memory_space<semaphore_mem>>) src(%dma_wait3A_482 : memref<512x16xf32, #tpu.memory_space<hbm>>) dst(%arg16 : memref<512x16xf32, #tpu.memory_space<vmem>>)
      %mul3A_483 = arith.constant 512 : i32
      %mul3A_484 = arith.muli %add3A_476, %mul3A_483 : i32
      %add3A_485 = arith.addi %mul3A_4, %mul3A_484 : i32
      %dma_start3A_486 = arith.constant 0 : i32
      %dma_start3A_487 = tpu.memref_slice %arg4[%add3A_485, %dma_start3A_486] : memref<1048576x16xf32, #tpu.memory_space<hbm>> -> memref<512x16xf32, #tpu.memory_space<hbm>>
      %dma_start3A_488 = arith.constant 0 : i32
      %dma_start3A_489 = tpu.memref_slice %arg4[%add3A_485, %dma_start3A_488] : memref<1048576x16xf32, #tpu.memory_space<hbm>> -> memref<512x16xf32, #tpu.memory_space<hbm>>
      tpu.enqueue_dma source(%arg16 : memref<512x16xf32, #tpu.memory_space<vmem>>) target(%dma_start3A_489 : memref<512x16xf32, #tpu.memory_space<hbm>>) target_semaphore(%arg32 : memref<!tpu.dma_semaphore, #tpu.memory_space<semaphore_mem>>)
      %sub3A_490 = arith.constant 3 : i32
      %sub3A_491 = arith.subi %add3A_476, %sub3A_490 : i32
      %mul3A_492 = arith.constant 512 : i32
      %mul3A_493 = arith.muli %sub3A_491, %mul3A_492 : i32
      %add3A_494 = arith.addi %mul3A_4, %mul3A_493 : i32
      %dma_wait3A_495 = arith.constant 0 : i32
      %dma_wait3A_496 = tpu.memref_slice %arg4[%add3A_494, %dma_wait3A_495] : memref<1048576x16xf32, #tpu.memory_space<hbm>> -> memref<512x16xf32, #tpu.memory_space<hbm>>
      %dma_wait3A_497 = arith.constant 0 : i32
      %dma_wait3A_498 = tpu.memref_slice %arg4[%add3A_494, %dma_wait3A_497] : memref<1048576x16xf32, #tpu.memory_space<hbm>> -> memref<512x16xf32, #tpu.memory_space<hbm>>
      tpu.wait_dma2 semaphore(%arg37 : memref<!tpu.dma_semaphore, #tpu.memory_space<semaphore_mem>>) src(%arg21 : memref<512x16xf32, #tpu.memory_space<vmem>>) dst(%dma_wait3A_498 : memref<512x16xf32, #tpu.memory_space<hbm>>)
      %add3A_499 = arith.constant 5 : i32
      %add3A_500 = arith.addi %add3A_476, %add3A_499 : i32
      %scan3A_501 = arith.constant 0 : i32
      %scan3A_502 = arith.constant 0 : i32
      %scan3A_503 = arith.constant 32 : i32
      %scan3A_504 = arith.addi %scan3A_502, %scan3A_503 : i32
      %scan3A_505 = arith.constant 1 : i32
      scf.for %scan3A_549 = %scan3A_502 to %scan3A_504 step %scan3A_505  : i32 {
        %mul3A_550 = arith.constant 32 : i32
        %mul3A_551 = arith.muli %add3A_500, %mul3A_550 : i32
        %add3A_552 = arith.addi %mul3A_551, %scan3A_549 : i32
        %and3A_553 = arith.constant 1023 : i32
        %and3A_554 = arith.andi %add3A_552, %and3A_553 : i32
        %shift_right_arithmetic3A_555 = arith.constant 3 : i32
        %shift_right_arithmetic3A_556 = arith.shrsi %and3A_554, %shift_right_arithmetic3A_555 : i32
        %shift_left3A = arith.constant 3 : i32
        %shift_left3A_557 = arith.shli %shift_right_arithmetic3A_556, %shift_left3A : i32
        %and3A_558 = arith.constant 3 : i32
        %and3A_559 = arith.andi %and3A_554, %and3A_558 : i32
        %mul3A_560 = arith.constant 2 : i32
        %mul3A_561 = arith.muli %and3A_559, %mul3A_560 : i32
        %add3A_562 = arith.addi %shift_left3A_557, %mul3A_561 : i32
        %add3A_563 = vector.broadcast %add3A_562 : i32 to vector<16xi32>
        %add3A_564 = arith.addi %add3A_563, %shift_right_arithmetic3A_6 : vector<16xi32>
        %gather3A = tpu.vector_load_idx %arg6[%add3A_564] : memref<1024xi32, #tpu.memory_space<vmem>>[vector<16xi32>], vector<16xi32>,
        %shift_right_arithmetic3A_565 = arith.constant 2 : i32
        %shift_right_arithmetic3A_566 = arith.shrsi %and3A_554, %shift_right_arithmetic3A_565 : i32
        %and3A_567 = arith.constant 1 : i32
        %and3A_568 = arith.andi %shift_right_arithmetic3A_566, %and3A_567 : i32
        %shift_left3A_569 = arith.constant 8 : i32
        %shift_left3A_570 = arith.shli %and3A_568, %shift_left3A_569 : i32
        %shift_right_arithmetic3A_571 = arith.constant 10 : i32
        %shift_right_arithmetic3A_572 = arith.shrsi %add3A_552, %shift_right_arithmetic3A_571 : i32
        %mul3A_573 = arith.constant 16384 : i32
        %mul3A_574 = arith.muli %shift_right_arithmetic3A_572, %mul3A_573 : i32
        %add3A_575 = arith.addi %mul3A_574, %mul3A_4 : i32
        %add3A_576 = arith.addi %shift_left3A_570, %add3A_575 : i32
        %add3A_577 = arith.addi %gather3A, %mul3A_11 : vector<16xi32>
        %add3A_578 = vector.broadcast %add3A_576 : i32 to vector<16xi32>
        %add3A_579 = arith.addi %add3A_577, %add3A_578 : vector<16xi32>
        %mul3A_580 = arith.constant 16 : i32
        %mul3A_581 = arith.muli %scan3A_549, %mul3A_580 : i32
        %swap3A = arith.index_cast %mul3A_581 : i32 to index
        %swap3A_582 = tpu.vector_load %arg13[%swap3A] {strides = array<i32>} : memref<512xi32, #tpu.memory_space<vmem>>, vector<16xi32>,
        tpu.vector_store %arg13[%swap3A], %add3A_579 {strides = array<i32>} : memref<512xi32, #tpu.memory_space<vmem>>, vector<16xi32>,
      }
      %scan3A_506 = arith.constant 32 : i32
      %dma_start3A_507 = arith.constant 0 : i32
      %dma_start3A_508 = arith.constant 0 : i32
      %dma_start3A_509 = tpu.memref_slice %arg2[%dma_start3A_507, %dma_start3A_508] : memref<1048576x16xf32, #tpu.memory_space<hbm>> -> memref<1048576x16xf32, #tpu.memory_space<hbm>>
      tpu.enqueue_indirect_dma source(%dma_start3A_509 : memref<1048576x16xf32, #tpu.memory_space<hbm>>) target(%arg21 : memref<512x16xf32, #tpu.memory_space<vmem>>) offsets(%arg13 : memref<512xi32, #tpu.memory_space<vmem>>) semaphore(%arg29 : memref<!tpu.dma_semaphore, #tpu.memory_space<semaphore_mem>>)
      %mul3A_510 = arith.constant 8 : i32
      %mul3A_511 = arith.muli %scan3A_237, %mul3A_510 : i32
      %add3A_512 = arith.constant 3 : i32
      %add3A_513 = arith.addi %add3A_512, %mul3A_511 : i32
      %add3A_514 = arith.constant 7 : i32
      %add3A_515 = arith.addi %add3A_513, %add3A_514 : i32
      %dma_wait3A_516 = arith.constant 0 : i32
      %dma_wait3A_517 = arith.constant 0 : i32
      %dma_wait3A_518 = tpu.memref_slice %arg2[%dma_wait3A_516, %dma_wait3A_517] : memref<1048576x16xf32, #tpu.memory_space<hbm>> -> memref<512x16xf32, #tpu.memory_space<hbm>>
      %dma_wait3A_519 = arith.constant 0 : i32
      %dma_wait3A_520 = arith.constant 0 : i32
      %dma_wait3A_521 = tpu.memref_slice %arg2[%dma_wait3A_519, %dma_wait3A_520] : memref<1048576x16xf32, #tpu.memory_space<hbm>> -> memref<512x16xf32, #tpu.memory_space<hbm>>
      tpu.wait_dma2 semaphore(%arg25 : memref<!tpu.dma_semaphore, #tpu.memory_space<semaphore_mem>>) src(%dma_wait3A_521 : memref<512x16xf32, #tpu.memory_space<hbm>>) dst(%arg17 : memref<512x16xf32, #tpu.memory_space<vmem>>)
      %mul3A_522 = arith.constant 512 : i32
      %mul3A_523 = arith.muli %add3A_515, %mul3A_522 : i32
      %add3A_524 = arith.addi %mul3A_4, %mul3A_523 : i32
      %dma_start3A_525 = arith.constant 0 : i32
      %dma_start3A_526 = tpu.memref_slice %arg4[%add3A_524, %dma_start3A_525] : memref<1048576x16xf32, #tpu.memory_space<hbm>> -> memref<512x16xf32, #tpu.memory_space<hbm>>
      %dma_start3A_527 = arith.constant 0 : i32
      %dma_start3A_528 = tpu.memref_slice %arg4[%add3A_524, %dma_start3A_527] : memref<1048576x16xf32, #tpu.memory_space<hbm>> -> memref<512x16xf32, #tpu.memory_space<hbm>>
      tpu.enqueue_dma source(%arg17 : memref<512x16xf32, #tpu.memory_space<vmem>>) target(%dma_start3A_528 : memref<512x16xf32, #tpu.memory_space<hbm>>) target_semaphore(%arg33 : memref<!tpu.dma_semaphore, #tpu.memory_space<semaphore_mem>>)
      %sub3A_529 = arith.constant 3 : i32
      %sub3A_530 = arith.subi %add3A_515, %sub3A_529 : i32
      %mul3A_531 = arith.constant 512 : i32
      %mul3A_532 = arith.muli %sub3A_530, %mul3A_531 : i32
      %add3A_533 = arith.addi %mul3A_4, %mul3A_532 : i32
      %dma_wait3A_534 = arith.constant 0 : i32
      %dma_wait3A_535 = tpu.memref_slice %arg4[%add3A_533, %dma_wait3A_534] : memref<1048576x16xf32, #tpu.memory_space<hbm>> -> memref<512x16xf32, #tpu.memory_space<hbm>>
      %dma_wait3A_536 = arith.constant 0 : i32
      %dma_wait3A_537 = tpu.memref_slice %arg4[%add3A_533, %dma_wait3A_536] : memref<1048576x16xf32, #tpu.memory_space<hbm>> -> memref<512x16xf32, #tpu.memory_space<hbm>>
      tpu.wait_dma2 semaphore(%arg38 : memref<!tpu.dma_semaphore, #tpu.memory_space<semaphore_mem>>) src(%arg22 : memref<512x16xf32, #tpu.memory_space<vmem>>) dst(%dma_wait3A_537 : memref<512x16xf32, #tpu.memory_space<hbm>>)
      %add3A_538 = arith.constant 5 : i32
      %add3A_539 = arith.addi %add3A_515, %add3A_538 : i32
      %scan3A_540 = arith.constant 0 : i32
      %scan3A_541 = arith.constant 0 : i32
      %scan3A_542 = arith.constant 32 : i32
      %scan3A_543 = arith.addi %scan3A_541, %scan3A_542 : i32
      %scan3A_544 = arith.constant 1 : i32
      scf.for %scan3A_549 = %scan3A_541 to %scan3A_543 step %scan3A_544  : i32 {
        %mul3A_550 = arith.constant 32 : i32
        %mul3A_551 = arith.muli %add3A_539, %mul3A_550 : i32
        %add3A_552 = arith.addi %mul3A_551, %scan3A_549 : i32
        %and3A_553 = arith.constant 1023 : i32
        %and3A_554 = arith.andi %add3A_552, %and3A_553 : i32
        %shift_right_arithmetic3A_555 = arith.constant 3 : i32
        %shift_right_arithmetic3A_556 = arith.shrsi %and3A_554, %shift_right_arithmetic3A_555 : i32
        %shift_left3A = arith.constant 3 : i32
        %shift_left3A_557 = arith.shli %shift_right_arithmetic3A_556, %shift_left3A : i32
        %and3A_558 = arith.constant 3 : i32
        %and3A_559 = arith.andi %and3A_554, %and3A_558 : i32
        %mul3A_560 = arith.constant 2 : i32
        %mul3A_561 = arith.muli %and3A_559, %mul3A_560 : i32
        %add3A_562 = arith.addi %shift_left3A_557, %mul3A_561 : i32
        %add3A_563 = vector.broadcast %add3A_562 : i32 to vector<16xi32>
        %add3A_564 = arith.addi %add3A_563, %shift_right_arithmetic3A_6 : vector<16xi32>
        %gather3A = tpu.vector_load_idx %arg6[%add3A_564] : memref<1024xi32, #tpu.memory_space<vmem>>[vector<16xi32>], vector<16xi32>,
        %shift_right_arithmetic3A_565 = arith.constant 2 : i32
        %shift_right_arithmetic3A_566 = arith.shrsi %and3A_554, %shift_right_arithmetic3A_565 : i32
        %and3A_567 = arith.constant 1 : i32
        %and3A_568 = arith.andi %shift_right_arithmetic3A_566, %and3A_567 : i32
        %shift_left3A_569 = arith.constant 8 : i32
        %shift_left3A_570 = arith.shli %and3A_568, %shift_left3A_569 : i32
        %shift_right_arithmetic3A_571 = arith.constant 10 : i32
        %shift_right_arithmetic3A_572 = arith.shrsi %add3A_552, %shift_right_arithmetic3A_571 : i32
        %mul3A_573 = arith.constant 16384 : i32
        %mul3A_574 = arith.muli %shift_right_arithmetic3A_572, %mul3A_573 : i32
        %add3A_575 = arith.addi %mul3A_574, %mul3A_4 : i32
        %add3A_576 = arith.addi %shift_left3A_570, %add3A_575 : i32
        %add3A_577 = arith.addi %gather3A, %mul3A_11 : vector<16xi32>
        %add3A_578 = vector.broadcast %add3A_576 : i32 to vector<16xi32>
        %add3A_579 = arith.addi %add3A_577, %add3A_578 : vector<16xi32>
        %mul3A_580 = arith.constant 16 : i32
        %mul3A_581 = arith.muli %scan3A_549, %mul3A_580 : i32
        %swap3A = arith.index_cast %mul3A_581 : i32 to index
        %swap3A_582 = tpu.vector_load %arg14[%swap3A] {strides = array<i32>} : memref<512xi32, #tpu.memory_space<vmem>>, vector<16xi32>,
        tpu.vector_store %arg14[%swap3A], %add3A_579 {strides = array<i32>} : memref<512xi32, #tpu.memory_space<vmem>>, vector<16xi32>,
      }
      %scan3A_545 = arith.constant 32 : i32
      %dma_start3A_546 = arith.constant 0 : i32
      %dma_start3A_547 = arith.constant 0 : i32
      %dma_start3A_548 = tpu.memref_slice %arg2[%dma_start3A_546, %dma_start3A_547] : memref<1048576x16xf32, #tpu.memory_space<hbm>> -> memref<1048576x16xf32, #tpu.memory_space<hbm>>
      tpu.enqueue_indirect_dma source(%dma_start3A_548 : memref<1048576x16xf32, #tpu.memory_space<hbm>>) target(%arg22 : memref<512x16xf32, #tpu.memory_space<vmem>>) offsets(%arg14 : memref<512xi32, #tpu.memory_space<vmem>>) semaphore(%arg30 : memref<!tpu.dma_semaphore, #tpu.memory_space<semaphore_mem>>)
    }
    %scan3A_128 = arith.constant 7 : i32
    %dma_wait3A_129 = arith.constant 0 : i32
    %dma_wait3A_130 = arith.constant 0 : i32
    %dma_wait3A_131 = tpu.memref_slice %arg2[%dma_wait3A_129, %dma_wait3A_130] : memref<1048576x16xf32, #tpu.memory_space<hbm>> -> memref<512x16xf32, #tpu.memory_space<hbm>>
    %dma_wait3A_132 = arith.constant 0 : i32
    %dma_wait3A_133 = arith.constant 0 : i32
    %dma_wait3A_134 = tpu.memref_slice %arg2[%dma_wait3A_132, %dma_wait3A_133] : memref<1048576x16xf32, #tpu.memory_space<hbm>> -> memref<512x16xf32, #tpu.memory_space<hbm>>
    tpu.wait_dma2 semaphore(%arg26 : memref<!tpu.dma_semaphore, #tpu.memory_space<semaphore_mem>>) src(%dma_wait3A_134 : memref<512x16xf32, #tpu.memory_space<hbm>>) dst(%arg18 : memref<512x16xf32, #tpu.memory_space<vmem>>)
    %add3A_135 = arith.constant 30208 : i32
    %add3A_136 = arith.addi %mul3A_4, %add3A_135 : i32
    %dma_start3A_137 = arith.constant 0 : i32
    %dma_start3A_138 = tpu.memref_slice %arg4[%add3A_136, %dma_start3A_137] : memref<1048576x16xf32, #tpu.memory_space<hbm>> -> memref<512x16xf32, #tpu.memory_space<hbm>>
    %dma_start3A_139 = arith.constant 0 : i32
    %dma_start3A_140 = tpu.memref_slice %arg4[%add3A_136, %dma_start3A_139] : memref<1048576x16xf32, #tpu.memory_space<hbm>> -> memref<512x16xf32, #tpu.memory_space<hbm>>
    tpu.enqueue_dma source(%arg18 : memref<512x16xf32, #tpu.memory_space<vmem>>) target(%dma_start3A_140 : memref<512x16xf32, #tpu.memory_space<hbm>>) target_semaphore(%arg34 : memref<!tpu.dma_semaphore, #tpu.memory_space<semaphore_mem>>)
    %add3A_141 = arith.constant 28672 : i32
    %add3A_142 = arith.addi %mul3A_4, %add3A_141 : i32
    %dma_wait3A_143 = arith.constant 0 : i32
    %dma_wait3A_144 = tpu.memref_slice %arg4[%add3A_142, %dma_wait3A_143] : memref<1048576x16xf32, #tpu.memory_space<hbm>> -> memref<512x16xf32, #tpu.memory_space<hbm>>
    %dma_wait3A_145 = arith.constant 0 : i32
    %dma_wait3A_146 = tpu.memref_slice %arg4[%add3A_142, %dma_wait3A_145] : memref<1048576x16xf32, #tpu.memory_space<hbm>> -> memref<512x16xf32, #tpu.memory_space<hbm>>
    tpu.wait_dma2 semaphore(%arg31 : memref<!tpu.dma_semaphore, #tpu.memory_space<semaphore_mem>>) src(%arg15 : memref<512x16xf32, #tpu.memory_space<vmem>>) dst(%dma_wait3A_146 : memref<512x16xf32, #tpu.memory_space<hbm>>)
    %dma_wait3A_147 = arith.constant 0 : i32
    %dma_wait3A_148 = arith.constant 0 : i32
    %dma_wait3A_149 = tpu.memref_slice %arg2[%dma_wait3A_147, %dma_wait3A_148] : memref<1048576x16xf32, #tpu.memory_space<hbm>> -> memref<512x16xf32, #tpu.memory_space<hbm>>
    %dma_wait3A_150 = arith.constant 0 : i32
    %dma_wait3A_151 = arith.constant 0 : i32
    %dma_wait3A_152 = tpu.memref_slice %arg2[%dma_wait3A_150, %dma_wait3A_151] : memref<1048576x16xf32, #tpu.memory_space<hbm>> -> memref<512x16xf32, #tpu.memory_space<hbm>>
    tpu.wait_dma2 semaphore(%arg27 : memref<!tpu.dma_semaphore, #tpu.memory_space<semaphore_mem>>) src(%dma_wait3A_152 : memref<512x16xf32, #tpu.memory_space<hbm>>) dst(%arg19 : memref<512x16xf32, #tpu.memory_space<vmem>>)
    %add3A_153 = arith.constant 30720 : i32
    %add3A_154 = arith.addi %mul3A_4, %add3A_153 : i32
    %dma_start3A_155 = arith.constant 0 : i32
    %dma_start3A_156 = tpu.memref_slice %arg4[%add3A_154, %dma_start3A_155] : memref<1048576x16xf32, #tpu.memory_space<hbm>> -> memref<512x16xf32, #tpu.memory_space<hbm>>
    %dma_start3A_157 = arith.constant 0 : i32
    %dma_start3A_158 = tpu.memref_slice %arg4[%add3A_154, %dma_start3A_157] : memref<1048576x16xf32, #tpu.memory_space<hbm>> -> memref<512x16xf32, #tpu.memory_space<hbm>>
    tpu.enqueue_dma source(%arg19 : memref<512x16xf32, #tpu.memory_space<vmem>>) target(%dma_start3A_158 : memref<512x16xf32, #tpu.memory_space<hbm>>) target_semaphore(%arg35 : memref<!tpu.dma_semaphore, #tpu.memory_space<semaphore_mem>>)
    %add3A_159 = arith.constant 29184 : i32
    %add3A_160 = arith.addi %mul3A_4, %add3A_159 : i32
    %dma_wait3A_161 = arith.constant 0 : i32
    %dma_wait3A_162 = tpu.memref_slice %arg4[%add3A_160, %dma_wait3A_161] : memref<1048576x16xf32, #tpu.memory_space<hbm>> -> memref<512x16xf32, #tpu.memory_space<hbm>>
    %dma_wait3A_163 = arith.constant 0 : i32
    %dma_wait3A_164 = tpu.memref_slice %arg4[%add3A_160, %dma_wait3A_163] : memref<1048576x16xf32, #tpu.memory_space<hbm>> -> memref<512x16xf32, #tpu.memory_space<hbm>>
    tpu.wait_dma2 semaphore(%arg32 : memref<!tpu.dma_semaphore, #tpu.memory_space<semaphore_mem>>) src(%arg16 : memref<512x16xf32, #tpu.memory_space<vmem>>) dst(%dma_wait3A_164 : memref<512x16xf32, #tpu.memory_space<hbm>>)
    %dma_wait3A_165 = arith.constant 0 : i32
    %dma_wait3A_166 = arith.constant 0 : i32
    %dma_wait3A_167 = tpu.memref_slice %arg2[%dma_wait3A_165, %dma_wait3A_166] : memref<1048576x16xf32, #tpu.memory_space<hbm>> -> memref<512x16xf32, #tpu.memory_space<hbm>>
    %dma_wait3A_168 = arith.constant 0 : i32
    %dma_wait3A_169 = arith.constant 0 : i32
    %dma_wait3A_170 = tpu.memref_slice %arg2[%dma_wait3A_168, %dma_wait3A_169] : memref<1048576x16xf32, #tpu.memory_space<hbm>> -> memref<512x16xf32, #tpu.memory_space<hbm>>
    tpu.wait_dma2 semaphore(%arg28 : memref<!tpu.dma_semaphore, #tpu.memory_space<semaphore_mem>>) src(%dma_wait3A_170 : memref<512x16xf32, #tpu.memory_space<hbm>>) dst(%arg20 : memref<512x16xf32, #tpu.memory_space<vmem>>)
    %add3A_171 = arith.constant 31232 : i32
    %add3A_172 = arith.addi %mul3A_4, %add3A_171 : i32
    %dma_start3A_173 = arith.constant 0 : i32
    %dma_start3A_174 = tpu.memref_slice %arg4[%add3A_172, %dma_start3A_173] : memref<1048576x16xf32, #tpu.memory_space<hbm>> -> memref<512x16xf32, #tpu.memory_space<hbm>>
    %dma_start3A_175 = arith.constant 0 : i32
    %dma_start3A_176 = tpu.memref_slice %arg4[%add3A_172, %dma_start3A_175] : memref<1048576x16xf32, #tpu.memory_space<hbm>> -> memref<512x16xf32, #tpu.memory_space<hbm>>
    tpu.enqueue_dma source(%arg20 : memref<512x16xf32, #tpu.memory_space<vmem>>) target(%dma_start3A_176 : memref<512x16xf32, #tpu.memory_space<hbm>>) target_semaphore(%arg36 : memref<!tpu.dma_semaphore, #tpu.memory_space<semaphore_mem>>)
    %add3A_177 = arith.constant 29696 : i32
    %add3A_178 = arith.addi %mul3A_4, %add3A_177 : i32
    %dma_wait3A_179 = arith.constant 0 : i32
    %dma_wait3A_180 = tpu.memref_slice %arg4[%add3A_178, %dma_wait3A_179] : memref<1048576x16xf32, #tpu.memory_space<hbm>> -> memref<512x16xf32, #tpu.memory_space<hbm>>
    %dma_wait3A_181 = arith.constant 0 : i32
    %dma_wait3A_182 = tpu.memref_slice %arg4[%add3A_178, %dma_wait3A_181] : memref<1048576x16xf32, #tpu.memory_space<hbm>> -> memref<512x16xf32, #tpu.memory_space<hbm>>
    tpu.wait_dma2 semaphore(%arg33 : memref<!tpu.dma_semaphore, #tpu.memory_space<semaphore_mem>>) src(%arg17 : memref<512x16xf32, #tpu.memory_space<vmem>>) dst(%dma_wait3A_182 : memref<512x16xf32, #tpu.memory_space<hbm>>)
    %dma_wait3A_183 = arith.constant 0 : i32
    %dma_wait3A_184 = arith.constant 0 : i32
    %dma_wait3A_185 = tpu.memref_slice %arg2[%dma_wait3A_183, %dma_wait3A_184] : memref<1048576x16xf32, #tpu.memory_space<hbm>> -> memref<512x16xf32, #tpu.memory_space<hbm>>
    %dma_wait3A_186 = arith.constant 0 : i32
    %dma_wait3A_187 = arith.constant 0 : i32
    %dma_wait3A_188 = tpu.memref_slice %arg2[%dma_wait3A_186, %dma_wait3A_187] : memref<1048576x16xf32, #tpu.memory_space<hbm>> -> memref<512x16xf32, #tpu.memory_space<hbm>>
    tpu.wait_dma2 semaphore(%arg29 : memref<!tpu.dma_semaphore, #tpu.memory_space<semaphore_mem>>) src(%dma_wait3A_188 : memref<512x16xf32, #tpu.memory_space<hbm>>) dst(%arg21 : memref<512x16xf32, #tpu.memory_space<vmem>>)
    %add3A_189 = arith.constant 31744 : i32
    %add3A_190 = arith.addi %mul3A_4, %add3A_189 : i32
    %dma_start3A_191 = arith.constant 0 : i32
    %dma_start3A_192 = tpu.memref_slice %arg4[%add3A_190, %dma_start3A_191] : memref<1048576x16xf32, #tpu.memory_space<hbm>> -> memref<512x16xf32, #tpu.memory_space<hbm>>
    %dma_start3A_193 = arith.constant 0 : i32
    %dma_start3A_194 = tpu.memref_slice %arg4[%add3A_190, %dma_start3A_193] : memref<1048576x16xf32, #tpu.memory_space<hbm>> -> memref<512x16xf32, #tpu.memory_space<hbm>>
    tpu.enqueue_dma source(%arg21 : memref<512x16xf32, #tpu.memory_space<vmem>>) target(%dma_start3A_194 : memref<512x16xf32, #tpu.memory_space<hbm>>) target_semaphore(%arg37 : memref<!tpu.dma_semaphore, #tpu.memory_space<semaphore_mem>>)
    %add3A_195 = arith.constant 30208 : i32
    %add3A_196 = arith.addi %mul3A_4, %add3A_195 : i32
    %dma_wait3A_197 = arith.constant 0 : i32
    %dma_wait3A_198 = tpu.memref_slice %arg4[%add3A_196, %dma_wait3A_197] : memref<1048576x16xf32, #tpu.memory_space<hbm>> -> memref<512x16xf32, #tpu.memory_space<hbm>>
    %dma_wait3A_199 = arith.constant 0 : i32
    %dma_wait3A_200 = tpu.memref_slice %arg4[%add3A_196, %dma_wait3A_199] : memref<1048576x16xf32, #tpu.memory_space<hbm>> -> memref<512x16xf32, #tpu.memory_space<hbm>>
    tpu.wait_dma2 semaphore(%arg34 : memref<!tpu.dma_semaphore, #tpu.memory_space<semaphore_mem>>) src(%arg18 : memref<512x16xf32, #tpu.memory_space<vmem>>) dst(%dma_wait3A_200 : memref<512x16xf32, #tpu.memory_space<hbm>>)
    %dma_wait3A_201 = arith.constant 0 : i32
    %dma_wait3A_202 = arith.constant 0 : i32
    %dma_wait3A_203 = tpu.memref_slice %arg2[%dma_wait3A_201, %dma_wait3A_202] : memref<1048576x16xf32, #tpu.memory_space<hbm>> -> memref<512x16xf32, #tpu.memory_space<hbm>>
    %dma_wait3A_204 = arith.constant 0 : i32
    %dma_wait3A_205 = arith.constant 0 : i32
    %dma_wait3A_206 = tpu.memref_slice %arg2[%dma_wait3A_204, %dma_wait3A_205] : memref<1048576x16xf32, #tpu.memory_space<hbm>> -> memref<512x16xf32, #tpu.memory_space<hbm>>
    tpu.wait_dma2 semaphore(%arg30 : memref<!tpu.dma_semaphore, #tpu.memory_space<semaphore_mem>>) src(%dma_wait3A_206 : memref<512x16xf32, #tpu.memory_space<hbm>>) dst(%arg22 : memref<512x16xf32, #tpu.memory_space<vmem>>)
    %add3A_207 = arith.constant 32256 : i32
    %add3A_208 = arith.addi %mul3A_4, %add3A_207 : i32
    %dma_start3A_209 = arith.constant 0 : i32
    %dma_start3A_210 = tpu.memref_slice %arg4[%add3A_208, %dma_start3A_209] : memref<1048576x16xf32, #tpu.memory_space<hbm>> -> memref<512x16xf32, #tpu.memory_space<hbm>>
    %dma_start3A_211 = arith.constant 0 : i32
    %dma_start3A_212 = tpu.memref_slice %arg4[%add3A_208, %dma_start3A_211] : memref<1048576x16xf32, #tpu.memory_space<hbm>> -> memref<512x16xf32, #tpu.memory_space<hbm>>
    tpu.enqueue_dma source(%arg22 : memref<512x16xf32, #tpu.memory_space<vmem>>) target(%dma_start3A_212 : memref<512x16xf32, #tpu.memory_space<hbm>>) target_semaphore(%arg38 : memref<!tpu.dma_semaphore, #tpu.memory_space<semaphore_mem>>)
    %add3A_213 = arith.constant 30720 : i32
    %add3A_214 = arith.addi %mul3A_4, %add3A_213 : i32
    %dma_wait3A_215 = arith.constant 0 : i32
    %dma_wait3A_216 = tpu.memref_slice %arg4[%add3A_214, %dma_wait3A_215] : memref<1048576x16xf32, #tpu.memory_space<hbm>> -> memref<512x16xf32, #tpu.memory_space<hbm>>
    %dma_wait3A_217 = arith.constant 0 : i32
    %dma_wait3A_218 = tpu.memref_slice %arg4[%add3A_214, %dma_wait3A_217] : memref<1048576x16xf32, #tpu.memory_space<hbm>> -> memref<512x16xf32, #tpu.memory_space<hbm>>
    tpu.wait_dma2 semaphore(%arg35 : memref<!tpu.dma_semaphore, #tpu.memory_space<semaphore_mem>>) src(%arg19 : memref<512x16xf32, #tpu.memory_space<vmem>>) dst(%dma_wait3A_218 : memref<512x16xf32, #tpu.memory_space<hbm>>)
    %add3A_219 = arith.constant 31232 : i32
    %add3A_220 = arith.addi %mul3A_4, %add3A_219 : i32
    %dma_wait3A_221 = arith.constant 0 : i32
    %dma_wait3A_222 = tpu.memref_slice %arg4[%add3A_220, %dma_wait3A_221] : memref<1048576x16xf32, #tpu.memory_space<hbm>> -> memref<512x16xf32, #tpu.memory_space<hbm>>
    %dma_wait3A_223 = arith.constant 0 : i32
    %dma_wait3A_224 = tpu.memref_slice %arg4[%add3A_220, %dma_wait3A_223] : memref<1048576x16xf32, #tpu.memory_space<hbm>> -> memref<512x16xf32, #tpu.memory_space<hbm>>
    tpu.wait_dma2 semaphore(%arg36 : memref<!tpu.dma_semaphore, #tpu.memory_space<semaphore_mem>>) src(%arg20 : memref<512x16xf32, #tpu.memory_space<vmem>>) dst(%dma_wait3A_224 : memref<512x16xf32, #tpu.memory_space<hbm>>)
    %add3A_225 = arith.constant 31744 : i32
    %add3A_226 = arith.addi %mul3A_4, %add3A_225 : i32
    %dma_wait3A_227 = arith.constant 0 : i32
    %dma_wait3A_228 = tpu.memref_slice %arg4[%add3A_226, %dma_wait3A_227] : memref<1048576x16xf32, #tpu.memory_space<hbm>> -> memref<512x16xf32, #tpu.memory_space<hbm>>
    %dma_wait3A_229 = arith.constant 0 : i32
    %dma_wait3A_230 = tpu.memref_slice %arg4[%add3A_226, %dma_wait3A_229] : memref<1048576x16xf32, #tpu.memory_space<hbm>> -> memref<512x16xf32, #tpu.memory_space<hbm>>
    tpu.wait_dma2 semaphore(%arg37 : memref<!tpu.dma_semaphore, #tpu.memory_space<semaphore_mem>>) src(%arg21 : memref<512x16xf32, #tpu.memory_space<vmem>>) dst(%dma_wait3A_230 : memref<512x16xf32, #tpu.memory_space<hbm>>)
    %add3A_231 = arith.constant 32256 : i32
    %add3A_232 = arith.addi %mul3A_4, %add3A_231 : i32
    %dma_wait3A_233 = arith.constant 0 : i32
    %dma_wait3A_234 = tpu.memref_slice %arg4[%add3A_232, %dma_wait3A_233] : memref<1048576x16xf32, #tpu.memory_space<hbm>> -> memref<512x16xf32, #tpu.memory_space<hbm>>
    %dma_wait3A_235 = arith.constant 0 : i32
    %dma_wait3A_236 = tpu.memref_slice %arg4[%add3A_232, %dma_wait3A_235] : memref<1048576x16xf32, #tpu.memory_space<hbm>> -> memref<512x16xf32, #tpu.memory_space<hbm>>
    tpu.wait_dma2 semaphore(%arg38 : memref<!tpu.dma_semaphore, #tpu.memory_space<semaphore_mem>>) src(%arg22 : memref<512x16xf32, #tpu.memory_space<vmem>>) dst(%dma_wait3A_236 : memref<512x16xf32, #tpu.memory_space<hbm>>)
    return
  }
}

</mosaic_0001>

<sc_bundles>
// kernel: _sc_gather.3.cloned.1.call-start
scs
__scs_entry_jumppad:
0x0: {  	(pc) =	sbr.rel $0x88, $3  }
0x1: {  	(tag) =	ssettag $0x0;
	lr =	simm.s32 $0x1  }
0x2: {  	[smem:$0x3F9F] =	sst lr;
	_ =	strace $0xD0000000  }
0x3: {  	_ = 	snop  }
0x4: {  	_ = 	snop  }
0x5: {  	_ = 	snop  }
0x6: {  	_ = 	snop  }
0x7: {  	_ = 	snop  }
__scs_overlays_trampoline_lowered:
0x8: {  	[smem:$0x3FAE] =	sst s0  }
0x9: {  	[smem:$0x3FAF] =	sst s1  }
0xa: {  	[smem:$0x3FB0] =	sst s2  }
0xb: {  	[smem:$0x3FB1] =	sst s3  }
0xc: {  	[smem:$0x3FB2] =	sst s4  }
0xd: {  	[smem:$0x3FB3] =	sst s5  }
0xe: {  	[smem:$0x3FB4] =	sst s6  }
0xf: {  	[smem:$0x3FB5] =	sst s7  }
0x10: {  	[smem:$0x3FB6] =	sst s8  }
0x11: {  	[smem:$0x3FB7] =	sst s9;
	s0 =	simm.s32 @!p0 $0x0  }
0x12: {  	s1 =	sld [smem:$0x3F9D];
	s0 =	simm.s32 @p0 $0x1  }
0x13: {  	[smem:$0x3FB8] =	sst s0;
	s0 =	simm.s32 @!p1 $0x0  }
0x14: {  	s2 =	sld [smem:$0x3F9C];
	s0 =	simm.s32 @p1 $0x1  }
0x15: {  	[smem:$0x3FB9] =	sst s0;
	s0 =	simm.s32 @!p2 $0x0  }
0x16: {  	s3 =	sld [smem:$0x3FDB];
	s0 =	simm.s32 @p2 $0x1  }
0x17: {  	s4 =	simm.s32 $0x1BF5;
	[smem:$0x3FBB] =	sst s0  }
0x18: {  	s0 =	sld [smem:$0x3F9E];
	_ =	swait.ge [sflag:s4], $0x0  }
0x19: {  	s7 =	sld [smem:$0x3F9F]  }
0x1a: {  	s8 =	sadd.s32 $0xFFFFE003, lr  }
0x1b: {  	s9 =	sadd.s32 $0xFFFFFEF7, lr;
	s5 =	simm.s32 $0xFFFFFFFF;
	p2 =	slt.u32 s8, $0xFFFFF086  }
0x1c: {  	p1 =	slt.u32 s9, $0xF7A;
	s5 =	simm.s32 @!p2 $0x0  }
0x1d: {  	s5 =	simm.s32 @p1 $0x1;
	p0 =	seq.s32 s7, s2  }
0x1e: {  	s7 =	smul.u32 @!p0 $0xF7A, s2;
	p2 =	seq.s32 @!p0 s5, $0x0  }
0x1f: {  	s9 =	smul.u32 $0xF7A, s1;
	s8 =	simm.s32 @!p0 $0x1BF5;
	p2 =	por !p2, p0  }
0x20: {  	[sflag:s8] =	ssyncset.s32 @!p0 $0xFFFFF086;
	s6 =	sadd.s32 @!p0 s3, s7;
	s7 =	simm.s32 @!p0 $0x108  }
0x21: {  	s3 =	sadd.s32 s3, s9;
	s6 =	sadd.s32 @!p0 $0x88, s6;
	s7 =	simm.s32 @p2 $0x1082  }
0x22: {  	[simem:s7], [sflag:s8] =	dma.local @!p0 [hbm:s6], $0xF7A  }
0x23: {  	s9 =	sor.u32 $0xD0000000, s2;
	s6 =	simm.s32 $0x108;
	_ =	swait.ge @!p0 [sflag:s8], $0x0  }
0x24: {  	s3 =	sadd.s32 $0x88, s3;
	s6 =	simm.s32 @!p1 $0x1082;
	[sflag:s4] =	ssyncset.s32 $0xFFFFF086  }
0x25: {  	[simem:s6], [sflag:s4] =	dma.local [hbm:s3], $0xF7A  }
0x26: {  	[smem:$0x3F9F] =	sst s1;
	(tag) =	ssettag s2;
	_ =	strace s9  }
0x27: {  	s1 =	sld [smem:$0x3FAF]  }
0x28: {  	s2 =	sld [smem:$0x3FB0]  }
0x29: {  	s4 =	sld [smem:$0x3FB2]  }
0x2a: {  	p0 =	seq.s32 s5, $0x0;
	s5 =	sld [smem:$0x3FB3]  }
0x2b: {  	s6 =	sld [smem:$0x3FB4]  }
0x2c: {  	s7 =	sld [smem:$0x3FB5]  }
0x2d: {  	s3 =	simm.s32 $0x108;
	s8 =	sld [smem:$0x3FB6]  }
0x2e: {  	s3 =	simm.s32 @!p0 $0x1082;
	s9 =	sld [smem:$0x3FB7]  }
0x2f: {  	lr =	sadd.s32 s0, s3;
	s0 =	sld [smem:$0x3FAE]  }
0x30: {  	s3 =	sld [smem:$0x3FB1]  }
0x31: {  	[smem:$0x3FBA] =	sst s10  }
0x32: {  	s10 =	sld [smem:$0x3FB8];
	_ =	sdelay $0x3  }
0x33: {  	p0 =	seq.s32 s10, $0x1;
	s10 =	sld [smem:$0x3FBA];
	_ =	sdelay $0x3  }
0x34: {  	[smem:$0x3FBA] =	sst s10  }
0x35: {  	s10 =	sld [smem:$0x3FB9];
	_ =	sdelay $0x3  }
0x36: {  	p1 =	seq.s32 s10, $0x1;
	s10 =	sld [smem:$0x3FBA];
	_ =	sdelay $0x3  }
0x37: {  	[smem:$0x3FBA] =	sst s10  }
0x38: {  	s10 =	sld [smem:$0x3FBB]  }
0x39: {  	_ = 	snop;
	(pc) =	sbr.ind lr, $3  }
0x3a: {  	_ = 	snop  }
0x3b: {  	_ = 	snop  }
0x3c: {  	p2 =	seq.s32 s10, $0x1;
	s10 =	sld [smem:$0x3FBA]  }
0x3d: {  	_ =	shalt  }
0x3e: {  	_ =	shalt  }
0x3f: {  	_ =	shalt  }
0x40: {  	_ =	shalt  }
0x41: {  	_ =	shalt  }
0x42: {  	_ =	shalt  }
0x43: {  	_ =	shalt  }
0x44: {  	_ =	shalt  }
0x45: {  	_ =	shalt  }
0x46: {  	_ =	shalt  }
0x47: {  	_ =	shalt  }
0x48: {  	_ =	shalt  }
0x49: {  	_ =	shalt  }
0x4a: {  	_ =	shalt  }
0x4b: {  	_ =	shalt  }
0x4c: {  	_ =	shalt  }
0x4d: {  	_ =	shalt  }
0x4e: {  	_ =	shalt  }
0x4f: {  	_ =	shalt  }
0x50: {  	_ =	shalt  }
0x51: {  	_ =	shalt  }
0x52: {  	_ =	shalt  }
0x53: {  	_ =	shalt  }
0x54: {  	_ =	shalt  }
0x55: {  	_ =	shalt  }
0x56: {  	_ =	shalt  }
0x57: {  	_ =	shalt  }
0x58: {  	_ =	shalt  }
0x59: {  	_ =	shalt  }
0x5a: {  	_ =	shalt  }
0x5b: {  	_ =	shalt  }
0x5c: {  	_ =	shalt  }
0x5d: {  	_ =	shalt  }
0x5e: {  	_ =	shalt  }
0x5f: {  	_ =	shalt  }
0x60: {  	_ =	shalt  }
0x61: {  	_ =	shalt  }
0x62: {  	_ =	shalt  }
0x63: {  	_ =	shalt  }
0x64: {  	_ =	shalt  }
0x65: {  	_ =	shalt  }
0x66: {  	_ =	shalt  }
0x67: {  	_ =	shalt  }
0x68: {  	_ =	shalt  }
0x69: {  	_ =	shalt  }
0x6a: {  	_ =	shalt  }
0x6b: {  	_ =	shalt  }
0x6c: {  	_ =	shalt  }
0x6d: {  	_ =	shalt  }
0x6e: {  	_ =	shalt  }
0x6f: {  	_ =	shalt  }
0x70: {  	_ =	shalt  }
0x71: {  	_ =	shalt  }
0x72: {  	_ =	shalt  }
0x73: {  	_ =	shalt  }
0x74: {  	_ =	shalt  }
0x75: {  	_ =	shalt  }
0x76: {  	_ =	shalt  }
0x77: {  	_ =	shalt  }
0x78: {  	_ =	shalt  }
0x79: {  	_ =	shalt  }
0x7a: {  	_ =	shalt  }
0x7b: {  	_ =	shalt  }
0x7c: {  	_ =	shalt  }
0x7d: {  	_ =	shalt  }
0x7e: {  	_ =	shalt  }
0x7f: {  	_ =	shalt  }
0x80: {  	_ =	shalt  }
0x81: {  	_ =	shalt  }
0x82: {  	_ =	shalt  }
0x83: {  	_ =	shalt  }
0x84: {  	_ =	shalt  }
0x85: {  	_ =	shalt  }
0x86: {  	_ =	shalt  }
0x87: {  	_ =	shalt  }
.Lfunc_end0:
.L_simem_size_0:
called_computation.1_lowered:
.L_overlay_start_0:
0x88: {  	s2 =	sld [smem:$0x3FD9]  }
0x89: {  	s3 =	sld [smem:$0x3FFE];
	_ =	sdelay $0x1  }
0x8a: {  	s1 =	srdreg.scid  }
0x8b: {  	s0 =	sand.u32 $0x1, s1  }
0x8c: {  	s17 =	sshll.u32 s0, $0xA;
	s2 =	sadd.s32 s3, s2  }
0x8d: {  	s2 =	sadd.s32 s2, s17  }
0x8e: {  	[smem:$0x3FC6] =	sst s2  }
0x8f: {  	_ = 	snop  }
0x90: {  	s2 =	sld [smem:$0x3FC8]  }
0x91: {  	s18 =	sld [smem:$0x3FD0];
	(tm) =	ssettm $0x1  }
0x92: {  	s4 =	sld [smem:$0x3FFB];
	_ =	sdelay $0x3  }
0x93: {  	_ =	strace s4  }
0x94: {  	s4 =	sld [smem:$0x3FFC];
	_ =	sdelay $0x3  }
0x95: {  	_ =	strace s4  }
0x96: {  	s4 =	sld [smem:$0x3FFD];
	_ =	sdelay $0x3  }
0x97: {  	_ =	strace s4  }
0x98: {  	_ =	strace $0x8FFFFFFF  }
0x99: {  	s19 =	sld [smem:$0x3FDB];
	_ =	sdelay $0x1  }
0x9a: {  	s5 =	simm.s32 $_scs_section_size  }
0x9b: {  	s6 =	simm.s32 $_size__tile_overlayer_lowered;
	s7 =	simm.s32 $_tile_overlayer_lowered  }
0x9c: {  	s22 =	simm.s32 $0x1BFF;
	s21 =	sshll.u32 s7, $0x1;
	s4 =	sadd.s32 s5, s19  }
0x9d: {  	s8 =	simm.s32 $0x0;
	s20 =	sshll.u32 s6, $0x1;
	s6 =	sadd.s32 s21, s4  }
0x9e: {  	[timem:s8], [sflag:s22] =	dma.local [hbm:s6], s20  }
0x9f: {  	_ =	swait.ge [sflag:s22], s20  }
0xa0: {  	s5 =	ssub.s32 $0x0, s20;
	[sflag:s22] =	ssyncset.done $0x0  }
0xa1: {  	[sflag:s22] =	ssyncadd.s32 s5;
	_ =	sdelay $0x1  }
0xa2: {  	s23 =	simm.s32 $0x1B8B  }
0xa3: {  	_ =	swait.ge [sflag:s23], $0x1  }
0xa4: {  	[sflag:s23] =	ssyncset.done $0x0  }
0xa5: {  	s25 =	simm.s32 $0x1B8E;
	s24 =	sld [smem:$0x3FFE];
	[sflag:s23] =	ssyncadd.s32 $0xFFFFFFFF  }
0xa6: {  	s26 =	simm.s32 $execute0_lowered;
	[smem:$0x3FD2] =	sst s25  }
0xa7: {  	s6 =	sshll.u32 s26, $0x1;
	_ =	strace $0x80000046;
	[dreg:$0x1] =	wrdreg $0xFFFFFFFF  }
0xa8: {  	s28 =	simm.s32 $_size_execute0_lowered;
	s4 =	sadd.s32 s4, s6;
	[dreg:$0x0] =	wrdreg $0x0  }
0xa9: {  	s6 =	sshll.u32 s28, $0x1;
	[dreg:$0x2] =	wrdreg s4  }
0xaa: {  	[dreg:$0x3] =	wrdreg s6  }
0xab: {  	[dreg:$0x4] =	wrdreg $0xC0  }
0xac: {  	_ =	task [dreg:s8], $0x5FFFF  }
0xad: {  	[dreg:$0x1] =	wrdreg $0xFFFFFFFF  }
0xae: {  	[dreg:$0x0] =	wrdreg $0x60  }
0xaf: {  	[dreg:$0x2] =	wrdreg s18  }
0xb0: {  	[dreg:$0x3] =	wrdreg s2  }
0xb1: {  	[dreg:$0x4] =	wrdreg s24  }
0xb2: {  	[dreg:$0x5] =	wrdreg $0x9  }
0xb3: {  	_ =	task.clear_ibuf [dreg:s8], $0x6FFFF;
	_ =	strace $0x90000046  }
0xb4: {  	s29 =	simm.s32 $0x9;
	_ =	strace $0x80000048  }
0xb5: {  	_ =	swait.ge [sflag:s29], $0x1  }
0xb6: {  	[sflag:s29] =	ssyncadd.s32 $0xFFFFFFFF  }
0xb7: {  	_ =	strace $0x90000048  }
0xb8: {  	_ =	sfence  }
0xb9: {  	s30 =	sld [smem:$0x0];
	_ =	sdelay $0x2  }
0xba: {  	s31 =	sshll.u32 s1, $0xD;
	s1 =	sshrl.u32 s1, $0x2  }
0xbb: {  	s3 =	sand.u32 $0x4000, s31;
	s1 =	sadd.s32 s1, s30  }
0xbc: {  	s0 =	sor.u32 s3, s0;
	s1 =	sshll.u32 s1, $0x11  }
0xbd: {  	s0 =	sor.u32 s1, s0  }
0xbe: {  	s0 =	sadd.s32 $0x8F2B, s0  }
0xbf: {  	[sflag:s0] =	ssyncadd.remote.s32 $0x1  }
0xc0: {  	_ =	sfence.sel $0xFFFF  }
0xc1: {  	[dreg:$0x0] =	wrdreg $0xFFFFFFFF;
	(pc) =	sbr.abs _section_cstart, $3  }
0xc2: {  	[dreg:$0x1] =	wrdreg $0xFFFFFFFF  }
0xc3: {  	_ =	task.clear_ibuf [dreg:s8], $0x2FFFF;
	_ =	strace $0x9FFFFFFF  }
0xc4: {  	(tm) =	ssettm $0x7FFFFFFF  }
0xc5: {  	_ =	shalt  }
tec
execute0_lowered:
.L_overlay_start_1:
0x0: {  	(tag) =	ssettag $0x1  }
0x1: {  	s1 =	rddreg [dreg:$0x0]  }
0x2: {  	s0 =	rddreg [dreg:$0x2]  }
0x3: {  	s2 =	srdreg.scid;
	s3 =	stileid.u32  }
0x4: {  	s6 =	simm.s32 $0x0;
	s2 =	sand.u32 $0x1, s2;
	s3 =	sshll.u32 s3, $0x10  }
0x5: {  	[smem:$0x7FF] =	sst s6;
	s4 =	sshll.u32 s2, $0xF;
	s20 =	ssub.s32 $0x2, s2  }
0x6: {  	s19 =	sadd.s32 $0x800, s0;
	s5 =	sor.u32 s4, s3;
	s22 =	sshrl.u32 s20, $0x1  }
0x7: {  	_ =	strace $0x80000047;
	s21 =	sshll.u32 s5, $0x1;
	s0 =	ssub.s32 s20, s22  }
0x8: {  	[dreg:$0x4] =	wrdreg s19;
	s7 =	sadd.s32 s19, s21;
	s0 =	smax.u32 s0, $0x1  }
0x9: {  	s2 =	sadd.s32 $0x400, s7;
	[dreg:$0xc] =	wrdreg s0  }
0xa: {  	s23 =	sadd.s32 $0x800, s7;
	[dreg:$0x5] =	wrdreg s2  }
0xb: {  	s17 =	simm.s32 $0x400;
	s24 =	sadd.s32 $0xEC00, s7;
	[dreg:$0x6] =	wrdreg s23  }
0xc: {  	s18 =	simm.s32 $0x200;
	s25 =	sadd.s32 $0xF000, s7;
	[dreg:$0x7] =	wrdreg s24  }
0xd: {  	s28 =	simm.s32 $0xE;
	s26 =	sadd.s32 $0xF400, s7;
	[dreg:$0x8] =	wrdreg s25  }
0xe: {  	s31 =	simm.s32 $0xF;
	s29 =	sadd.s32 $0xF800, s7;
	[dreg:$0x9] =	wrdreg s26  }
0xf: {  	v0 =	vlaneseq.u32;
	s10 =	simm.s32 $0x0;
	s30 =	sadd.s32 $0xFC00, s7;
	[dreg:$0xa] =	wrdreg s29  }
0x10: {  	v1 =	vand.u32 $0x7, v0;
	s3 =	simm.s32 $0x10;
	s21 =	simm.s32 $0x1800;
	[dreg:$0xb] =	wrdreg s30  }
0x11: {  	v0 =	vshrl.u32 v0, $0x3;
	v1 =	vmul.u32 $0x8, v1;
	s23 =	simm.s32 $0x8;
	s25 =	simm.s32 $0xD;
	s2 =	simm.s32 $0x0  }
.LBB2_1:
0x12: {  	[dreg:$0xd] =	wrdreg s2  }
0x13: {  	s0 =	rddreg [dreg:$0x1];
	s30 =	simm.s32 $0x11  }
0x14: {  	[tilespmem:s6], [sflag:$0x11] =	stream.linear.gather [hbm4b:s0+s6], $0x400, $0x38;
	[tilespmem:$0x11800] =	vst v63  }
0x15: {  	_ =	swait.ge [sflag:s30], $0x400  }
0x16: {  	[sflag:s30] =	ssyncset.done $0x0  }
0x17: {  	s2 =	simm.s32 $0x0;
	[sflag:s30] =	ssyncadd.s32 $0xFFFFFC00  }
0x18: {  	v2 =	vld [tilespmem:s2+$0x0];
	_ =	sdelay $0x2  }
0x19: {  	s0 =	simm.s32 $0x40  }
.LBB2_2:
0x1a: {  	p0 =	sne.s32 s0, $0xFC0  }
.Ltmp0:
0x1b: {  	s4 =	sshra.s32 s0, $0x2;
	s0 =	sadd.s32 $0x40, s0;
	v3 =	vshll.u32 v2, $0x3;
	(pc) =	sbr.rel @p0 .LBB2_2-.Ltmp0, $4  }
0x1c: {  	v4 =	vshll.u32 v2, $0x4;
	v5 =	vand.u32 $0x7, v2;
	v3 =	vand.u32 $0xC0, v3;
	v2 =	vld [tilespmem:s4+$0x0]  }
0x1d: {  	v4 =	vand.u32 $0xFFFFFE00, v4;
	v3 =	vor.u32 v5, v3  }
0x1e: {  	v3 =	vor.u32 v4, v3  }
0x1f: {  	[tilespmem:s2+$0x400] =	vst v3;
	s2 =	smov.u32 s4  }
0x20: {  	s0 =	simm.s32 $0x0  }
0x21: {  	s4 =	sand.u32 $0x18, s0;
	s6 =	sand.u32 $0x6, s0  }
0x22: {  	s4 =	sor.u32 s4, s6  }
0x23: {  	v3 =	vshll.u32 v2, $0x3;
	v4 =	vor.u32 s4, v0  }
0x24: {  	v5 =	vshll.u32 v2, $0x4;
	v2 =	vand.u32 $0x7, v2;
	v3 =	vand.u32 $0xC0, v3  }
0x25: {  	v2 =	vor.u32 v2, v3;
	v3 =	vand.u32 $0xFFFFFE00, v5  }
0x26: {  	v2 =	vor.u32 v3, v2  }
0x27: {  	[tilespmem:s2+$0x400] =	vst v2  }
0x28: {  	s22 =	simm.s32 $0x1;
	s24 =	simm.s32 $0x2;
	v2 =	vld.idx.msk [tilespmem:v4+s17+$0x0], $0xffff  }
0x29: {  	s4 =	sand.u32 $0x6, s24;
	s2 =	sand.u32 $0x18, s22  }
0x2a: {  	s2 =	sor.u32 s2, s4  }
0x2b: {  	s26 =	sand.u32 $0x100, s0;
	v3 =	vor.u32 s2, v0  }
0x2c: {  	s2 =	sor.u32 s5, s26  }
0x2d: {  	v2 =	vadd.s32 s2, v2  }
0x2e: {  	s29 =	simm.s32 $0x0;
	v2 =	vadd.s32 v1, v2  }
0x2f: {  	[tilespmem:s29+$0x800] =	vst v2  }
0x30: {  	s30 =	simm.s32 $0x2;
	s2 =	simm.s32 $0x4;
	v2 =	vld.idx.msk [tilespmem:v3+s17+$0x0], $0xffff  }
0x31: {  	s6 =	simm.s32 $0x3;
	s4 =	sand.u32 $0x18, s30;
	s8 =	sand.u32 $0x6, s2  }
.LBB2_4:
0x32: {  	p0 =	sne.s32 s6, $0x1F;
	s4 =	sor.u32 s4, s8;
	s0 =	sadd.s32 $0x40, s0  }
0x33: {  	v3 =	vor.u32 s4, v0;
	s4 =	sand.u32 $0x100, s0  }
0x34: {  	s4 =	sor.u32 s5, s4  }
0x35: {  	v2 =	vadd.s32 s4, v2  }
.Ltmp1:
0x36: {  	s4 =	sshra.s32 s0, $0x2;
	v2 =	vadd.s32 v1, v2;
	(pc) =	sbr.rel @p0 .LBB2_4-.Ltmp1, $4  }
0x37: {  	[tilespmem:s4+$0x800] =	vst v2  }
0x38: {  	v2 =	vld.idx.msk [tilespmem:v3+s17+$0x0], $0xffff  }
0x39: {  	s2 =	sadd.s32 $0x2, s2  }
0x3a: {  	s8 =	sand.u32 $0x6, s2;
	s4 =	sand.u32 $0x18, s6;
	s6 =	sadd.s32 $0x1, s6  }
0x3b: {  	s2 =	sor.u32 s4, s8;
	s12 =	sadd.s32 $0x40, s0  }
0x3c: {  	v3 =	vor.u32 s2, v0;
	s0 =	sand.u32 $0x100, s12  }
0x3d: {  	s0 =	sor.u32 s5, s0  }
0x3e: {  	v2 =	vadd.s32 s0, v2  }
0x3f: {  	s13 =	sshra.s32 s12, $0x2;
	v2 =	vadd.s32 v1, v2  }
0x40: {  	[tilespmem:s13+$0x800] =	vst v2  }
0x41: {  	s0 =	simm.s32 $0x0;
	v2 =	vld.idx.msk [tilespmem:v3+s17+$0x0], $0xffff  }
0x42: {  	s15 =	sand.u32 $0x18, s0;
	s6 =	sand.u32 $0x6, s0  }
0x43: {  	s14 =	sadd.s32 $0x40, s12;
	s4 =	sor.u32 s6, s15  }
0x44: {  	s16 =	sand.u32 $0x100, s14;
	s4 =	sor.u32 $0x20, s4  }
0x45: {  	s19 =	sor.u32 s5, s16;
	v3 =	vor.u32 s4, v0  }
0x46: {  	v2 =	vadd.s32 s19, v2  }
0x47: {  	s2 =	sshra.s32 s14, $0x2;
	v2 =	vadd.s32 v1, v2  }
0x48: {  	s20 =	simm.s32 $0x800;
	s22 =	simm.s32 $0x1;
	s24 =	simm.s32 $0x2;
	[tilespmem:s2+$0x800] =	vst v2  }
0x49: {  	[tilespmem:s21], [sflag:$0x1] =	stream.indirect.gather [hbm4b:s1+s18], $0x10, s20, s18, $0xb8;
	[tilespmem:$0x11800] =	vst v63  }
0x4a: {  	s4 =	sand.u32 $0x6, s24;
	s2 =	sand.u32 $0x18, s22;
	v2 =	vld.idx.msk [tilespmem:v3+s17+$0x0], $0xffff  }
0x4b: {  	s2 =	sor.u32 s4, s2  }
0x4c: {  	s2 =	sor.u32 $0x20, s2  }
0x4d: {  	s26 =	sand.u32 $0x100, s0;
	v3 =	vor.u32 s2, v0  }
0x4e: {  	s2 =	sor.u32 s5, s26  }
0x4f: {  	v2 =	vadd.s32 s2, v2  }
0x50: {  	s29 =	simm.s32 $0x0;
	v2 =	vadd.s32 v1, v2  }
0x51: {  	s30 =	simm.s32 $0x2;
	s2 =	simm.s32 $0x4;
	[tilespmem:s29+$0xA00] =	vst v2  }
0x52: {  	s6 =	simm.s32 $0x3;
	s4 =	sand.u32 $0x18, s30;
	s8 =	sand.u32 $0x6, s2;
	v2 =	vld.idx.msk [tilespmem:v3+s17+$0x0], $0xffff  }
.LBB2_6:
0x53: {  	p0 =	sne.s32 s6, $0x1F;
	s4 =	sor.u32 s8, s4  }
0x54: {  	s0 =	sadd.s32 $0x40, s0;
	s4 =	sor.u32 $0x20, s4  }
0x55: {  	v3 =	vor.u32 s4, v0;
	s4 =	sand.u32 $0x100, s0  }
0x56: {  	s4 =	sor.u32 s5, s4  }
.Ltmp2:
0x57: {  	v2 =	vadd.s32 s4, v2;
	(pc) =	sbr.rel @p0 .LBB2_6-.Ltmp2, $4  }
0x58: {  	s4 =	sshra.s32 s0, $0x2;
	v2 =	vadd.s32 v1, v2  }
0x59: {  	[tilespmem:s4+$0xA00] =	vst v2  }
0x5a: {  	s2 =	sadd.s32 $0x2, s2;
	v2 =	vld.idx.msk [tilespmem:v3+s17+$0x0], $0xffff  }
0x5b: {  	s8 =	sand.u32 $0x6, s2;
	s4 =	sand.u32 $0x18, s6;
	s6 =	sadd.s32 $0x1, s6  }
0x5c: {  	s2 =	sor.u32 s8, s4  }
0x5d: {  	s11 =	sadd.s32 $0x40, s0;
	s2 =	sor.u32 $0x20, s2  }
0x5e: {  	s0 =	sand.u32 $0x100, s11;
	v3 =	vor.u32 s2, v0  }
0x5f: {  	s0 =	sor.u32 s5, s0  }
0x60: {  	v2 =	vadd.s32 s0, v2  }
0x61: {  	s12 =	sshra.s32 s11, $0x2;
	v2 =	vadd.s32 v1, v2  }
0x62: {  	[tilespmem:s12+$0xA00] =	vst v2  }
0x63: {  	s0 =	simm.s32 $0x0;
	v2 =	vld.idx.msk [tilespmem:v3+s17+$0x0], $0xffff  }
0x64: {  	s14 =	sand.u32 $0x18, s0;
	s6 =	sand.u32 $0x6, s0  }
0x65: {  	s13 =	sadd.s32 $0x40, s11;
	s4 =	sor.u32 s6, s14  }
0x66: {  	s15 =	sand.u32 $0x100, s13;
	s4 =	sor.u32 $0x40, s4  }
0x67: {  	s16 =	sor.u32 s5, s15;
	v3 =	vor.u32 s4, v0  }
0x68: {  	v2 =	vadd.s32 s16, v2  }
0x69: {  	s19 =	simm.s32 $0xA00;
	s2 =	sshra.s32 s13, $0x2;
	v2 =	vadd.s32 v1, v2  }
0x6a: {  	s20 =	simm.s32 $0x3800;
	s22 =	simm.s32 $0x1;
	s24 =	simm.s32 $0x2;
	[tilespmem:s2+$0xA00] =	vst v2  }
0x6b: {  	[tilespmem:s20], [sflag:$0x2] =	stream.indirect.gather [hbm4b:s1+s18], $0x10, s19, s18, $0xb8;
	[tilespmem:$0x11800] =	vst v63  }
0x6c: {  	s4 =	sand.u32 $0x6, s24;
	s2 =	sand.u32 $0x18, s22;
	v2 =	vld.idx.msk [tilespmem:v3+s17+$0x0], $0xffff  }
0x6d: {  	s2 =	sor.u32 s4, s2  }
0x6e: {  	s2 =	sor.u32 $0x40, s2  }
0x6f: {  	s26 =	sand.u32 $0x100, s0;
	v3 =	vor.u32 s2, v0  }
0x70: {  	s2 =	sor.u32 s5, s26  }
0x71: {  	v2 =	vadd.s32 s2, v2  }
0x72: {  	s29 =	simm.s32 $0x0;
	v2 =	vadd.s32 v1, v2  }
0x73: {  	s30 =	simm.s32 $0x2;
	s2 =	simm.s32 $0x4;
	[tilespmem:s29+$0xC00] =	vst v2  }
0x74: {  	s6 =	simm.s32 $0x3;
	s4 =	sand.u32 $0x18, s30;
	s8 =	sand.u32 $0x6, s2;
	v2 =	vld.idx.msk [tilespmem:v3+s17+$0x0], $0xffff  }
.LBB2_8:
0x75: {  	p0 =	sne.s32 s6, $0x1F;
	s4 =	sor.u32 s8, s4  }
0x76: {  	s0 =	sadd.s32 $0x40, s0;
	s4 =	sor.u32 $0x40, s4  }
0x77: {  	v3 =	vor.u32 s4, v0;
	s4 =	sand.u32 $0x100, s0  }
0x78: {  	s4 =	sor.u32 s5, s4  }
.Ltmp3:
0x79: {  	v2 =	vadd.s32 s4, v2;
	(pc) =	sbr.rel @p0 .LBB2_8-.Ltmp3, $4  }
0x7a: {  	s4 =	sshra.s32 s0, $0x2;
	v2 =	vadd.s32 v1, v2  }
0x7b: {  	[tilespmem:s4+$0xC00] =	vst v2  }
0x7c: {  	s2 =	sadd.s32 $0x2, s2;
	v2 =	vld.idx.msk [tilespmem:v3+s17+$0x0], $0xffff  }
0x7d: {  	s8 =	sand.u32 $0x6, s2;
	s4 =	sand.u32 $0x18, s6;
	s6 =	sadd.s32 $0x1, s6  }
0x7e: {  	s2 =	sor.u32 s8, s4  }
0x7f: {  	s11 =	sadd.s32 $0x40, s0;
	s2 =	sor.u32 $0x40, s2  }
0x80: {  	s0 =	sand.u32 $0x100, s11;
	v3 =	vor.u32 s2, v0  }
0x81: {  	s0 =	sor.u32 s5, s0  }
0x82: {  	v2 =	vadd.s32 s0, v2  }
0x83: {  	s12 =	sshra.s32 s11, $0x2;
	v2 =	vadd.s32 v1, v2  }
0x84: {  	[tilespmem:s12+$0xC00] =	vst v2  }
0x85: {  	s0 =	simm.s32 $0x0;
	v2 =	vld.idx.msk [tilespmem:v3+s17+$0x0], $0xffff  }
0x86: {  	s14 =	sand.u32 $0x18, s0;
	s6 =	sand.u32 $0x6, s0  }
0x87: {  	s13 =	sadd.s32 $0x40, s11;
	s4 =	sor.u32 s6, s14  }
0x88: {  	s15 =	sand.u32 $0x100, s13;
	s4 =	sor.u32 $0x60, s4  }
0x89: {  	s16 =	sor.u32 s5, s15;
	v3 =	vor.u32 s4, v0  }
0x8a: {  	v2 =	vadd.s32 s16, v2  }
0x8b: {  	s19 =	simm.s32 $0xC00;
	s2 =	sshra.s32 s13, $0x2;
	v2 =	vadd.s32 v1, v2  }
0x8c: {  	s20 =	simm.s32 $0x5800;
	s22 =	simm.s32 $0x1;
	s24 =	simm.s32 $0x2;
	[tilespmem:s2+$0xC00] =	vst v2  }
0x8d: {  	[tilespmem:s20], [sflag:$0x3] =	stream.indirect.gather [hbm4b:s1+s18], $0x10, s19, s18, $0xb8;
	[tilespmem:$0x11800] =	vst v63  }
0x8e: {  	s4 =	sand.u32 $0x6, s24;
	s2 =	sand.u32 $0x18, s22;
	v2 =	vld.idx.msk [tilespmem:v3+s17+$0x0], $0xffff  }
0x8f: {  	s2 =	sor.u32 s4, s2  }
0x90: {  	s2 =	sor.u32 $0x60, s2  }
0x91: {  	s26 =	sand.u32 $0x100, s0;
	v3 =	vor.u32 s2, v0  }
0x92: {  	s2 =	sor.u32 s5, s26  }
0x93: {  	v2 =	vadd.s32 s2, v2  }
0x94: {  	s29 =	simm.s32 $0x0;
	v2 =	vadd.s32 v1, v2  }
0x95: {  	s30 =	simm.s32 $0x2;
	s2 =	simm.s32 $0x4;
	[tilespmem:s29+$0xE00] =	vst v2  }
0x96: {  	s6 =	simm.s32 $0x3;
	s4 =	sand.u32 $0x18, s30;
	s8 =	sand.u32 $0x6, s2;
	v2 =	vld.idx.msk [tilespmem:v3+s17+$0x0], $0xffff  }
.LBB2_10:
0x97: {  	p0 =	sne.s32 s6, $0x1F;
	s4 =	sor.u32 s8, s4  }
0x98: {  	s0 =	sadd.s32 $0x40, s0;
	s4 =	sor.u32 $0x60, s4  }
0x99: {  	v3 =	vor.u32 s4, v0;
	s4 =	sand.u32 $0x100, s0  }
0x9a: {  	s4 =	sor.u32 s5, s4  }
.Ltmp4:
0x9b: {  	v2 =	vadd.s32 s4, v2;
	(pc) =	sbr.rel @p0 .LBB2_10-.Ltmp4, $4  }
0x9c: {  	s4 =	sshra.s32 s0, $0x2;
	v2 =	vadd.s32 v1, v2  }
0x9d: {  	[tilespmem:s4+$0xE00] =	vst v2  }
0x9e: {  	s2 =	sadd.s32 $0x2, s2;
	v2 =	vld.idx.msk [tilespmem:v3+s17+$0x0], $0xffff  }
0x9f: {  	s8 =	sand.u32 $0x6, s2;
	s4 =	sand.u32 $0x18, s6;
	s6 =	sadd.s32 $0x1, s6  }
0xa0: {  	s2 =	sor.u32 s8, s4  }
0xa1: {  	s11 =	sadd.s32 $0x40, s0;
	s2 =	sor.u32 $0x60, s2  }
0xa2: {  	s0 =	sand.u32 $0x100, s11;
	v3 =	vor.u32 s2, v0  }
0xa3: {  	s0 =	sor.u32 s5, s0  }
0xa4: {  	v2 =	vadd.s32 s0, v2  }
0xa5: {  	s12 =	sshra.s32 s11, $0x2;
	v2 =	vadd.s32 v1, v2  }
0xa6: {  	[tilespmem:s12+$0xE00] =	vst v2  }
0xa7: {  	s0 =	simm.s32 $0x0;
	v2 =	vld.idx.msk [tilespmem:v3+s17+$0x0], $0xffff  }
0xa8: {  	s14 =	sand.u32 $0x18, s0;
	s6 =	sand.u32 $0x6, s0  }
0xa9: {  	s13 =	sadd.s32 $0x40, s11;
	s4 =	sor.u32 s6, s14  }
0xaa: {  	s15 =	sand.u32 $0x100, s13;
	s4 =	sor.u32 $0x80, s4  }
0xab: {  	s16 =	sor.u32 s5, s15;
	v3 =	vor.u32 s4, v0  }
0xac: {  	v2 =	vadd.s32 s16, v2  }
0xad: {  	s19 =	simm.s32 $0xE00;
	s2 =	sshra.s32 s13, $0x2;
	v2 =	vadd.s32 v1, v2  }
0xae: {  	s20 =	simm.s32 $0x7800;
	s22 =	simm.s32 $0x1;
	s24 =	simm.s32 $0x2;
	[tilespmem:s2+$0xE00] =	vst v2  }
0xaf: {  	[tilespmem:s20], [sflag:$0x4] =	stream.indirect.gather [hbm4b:s1+s18], $0x10, s19, s18, $0xb8;
	[tilespmem:$0x11800] =	vst v63  }
0xb0: {  	s4 =	sand.u32 $0x6, s24;
	s2 =	sand.u32 $0x18, s22;
	v2 =	vld.idx.msk [tilespmem:v3+s17+$0x0], $0xffff  }
0xb1: {  	s2 =	sor.u32 s4, s2  }
0xb2: {  	s2 =	sor.u32 $0x80, s2  }
0xb3: {  	s26 =	sand.u32 $0x100, s0;
	v3 =	vor.u32 s2, v0  }
0xb4: {  	s2 =	sor.u32 s5, s26  }
0xb5: {  	v2 =	vadd.s32 s2, v2  }
0xb6: {  	s29 =	simm.s32 $0x0;
	v2 =	vadd.s32 v1, v2  }
0xb7: {  	s30 =	simm.s32 $0x2;
	s2 =	simm.s32 $0x4;
	[tilespmem:s29+$0x1000] =	vst v2  }
0xb8: {  	s6 =	simm.s32 $0x3;
	s4 =	sand.u32 $0x18, s30;
	s8 =	sand.u32 $0x6, s2;
	v2 =	vld.idx.msk [tilespmem:v3+s17+$0x0], $0xffff  }
.LBB2_12:
0xb9: {  	p0 =	sne.s32 s6, $0x1F;
	s4 =	sor.u32 s8, s4  }
0xba: {  	s0 =	sadd.s32 $0x40, s0;
	s4 =	sor.u32 $0x80, s4  }
0xbb: {  	v3 =	vor.u32 s4, v0;
	s4 =	sand.u32 $0x100, s0  }
0xbc: {  	s4 =	sor.u32 s5, s4  }
.Ltmp5:
0xbd: {  	v2 =	vadd.s32 s4, v2;
	(pc) =	sbr.rel @p0 .LBB2_12-.Ltmp5, $4  }
0xbe: {  	s4 =	sshra.s32 s0, $0x2;
	v2 =	vadd.s32 v1, v2  }
0xbf: {  	[tilespmem:s4+$0x1000] =	vst v2  }
0xc0: {  	s2 =	sadd.s32 $0x2, s2;
	v2 =	vld.idx.msk [tilespmem:v3+s17+$0x0], $0xffff  }
0xc1: {  	s8 =	sand.u32 $0x6, s2;
	s4 =	sand.u32 $0x18, s6;
	s6 =	sadd.s32 $0x1, s6  }
0xc2: {  	s2 =	sor.u32 s8, s4  }
0xc3: {  	s0 =	sadd.s32 $0x40, s0;
	s2 =	sor.u32 $0x80, s2  }
0xc4: {  	s11 =	sand.u32 $0x100, s0;
	v3 =	vor.u32 s2, v0  }
0xc5: {  	s2 =	sor.u32 s5, s11  }
0xc6: {  	v2 =	vadd.s32 s2, v2  }
0xc7: {  	s12 =	sshra.s32 s0, $0x2;
	v2 =	vadd.s32 v1, v2  }
0xc8: {  	[tilespmem:s12+$0x1000] =	vst v2  }
0xc9: {  	v2 =	vld.idx.msk [tilespmem:v3+s17+$0x0], $0xffff;
	_ =	sdelay $0x1  }
0xca: {  	s0 =	sadd.s32 $0x40, s0  }
0xcb: {  	s13 =	sand.u32 $0x100, s0  }
0xcc: {  	s2 =	sor.u32 s5, s13  }
0xcd: {  	v2 =	vadd.s32 s2, v2  }
0xce: {  	s0 =	sshra.s32 s0, $0x2;
	v2 =	vadd.s32 v1, v2  }
0xcf: {  	[tilespmem:s0+$0x1000] =	vst v2;
	s0 =	simm.s32 $0x0  }
0xd0: {  	s16 =	sand.u32 $0x18, s0;
	s19 =	sand.u32 $0x6, s0  }
0xd1: {  	s14 =	simm.s32 $0x1000;
	s2 =	sor.u32 s19, s16  }
0xd2: {  	s15 =	simm.s32 $0x9800;
	s20 =	simm.s32 $0x1;
	s2 =	sor.u32 $0xA0, s2  }
0xd3: {  	[tilespmem:s15], [sflag:$0x5] =	stream.indirect.gather [hbm4b:s1+s18], $0x10, s14, s18, $0xb8;
	v2 =	vor.u32 s2, v0;
	[tilespmem:$0x11800] =	vst v63  }
0xd4: {  	_ =	swait.ge [sflag:s20], $0x2000  }
0xd5: {  	[sflag:s20] =	ssyncset.done $0x0  }
0xd6: {  	s22 =	simm.s32 $0x1;
	s24 =	simm.s32 $0x2;
	[sflag:s20] =	ssyncadd.s32 $0xFFFFE000  }
0xd7: {  	[hbm4b:s7+s0] =	stream.linear.scatter [tilespmem:s21], [sflag:$0x9], $0x2000, $0x38;
	[tilespmem:$0x11800] =	vst v63  }
0xd8: {  	s4 =	sand.u32 $0x6, s24;
	s2 =	sand.u32 $0x18, s22;
	v2 =	vld.idx.msk [tilespmem:v2+s17+$0x0], $0xffff  }
0xd9: {  	s2 =	sor.u32 s4, s2  }
0xda: {  	s2 =	sor.u32 $0xA0, s2  }
0xdb: {  	s26 =	sand.u32 $0x100, s0;
	v3 =	vor.u32 s2, v0  }
0xdc: {  	s2 =	sor.u32 s5, s26  }
0xdd: {  	v2 =	vadd.s32 s2, v2  }
0xde: {  	s29 =	simm.s32 $0x0;
	v2 =	vadd.s32 v1, v2  }
0xdf: {  	s30 =	simm.s32 $0x2;
	s2 =	simm.s32 $0x4;
	[tilespmem:s29+$0x1200] =	vst v2  }
0xe0: {  	s6 =	simm.s32 $0x3;
	s4 =	sand.u32 $0x18, s30;
	s8 =	sand.u32 $0x6, s2;
	v2 =	vld.idx.msk [tilespmem:v3+s17+$0x0], $0xffff  }
.LBB2_14:
0xe1: {  	p0 =	sne.s32 s6, $0x1F;
	s4 =	sor.u32 s8, s4  }
0xe2: {  	s0 =	sadd.s32 $0x40, s0;
	s4 =	sor.u32 $0xA0, s4  }
0xe3: {  	v3 =	vor.u32 s4, v0;
	s4 =	sand.u32 $0x100, s0  }
0xe4: {  	s4 =	sor.u32 s5, s4  }
.Ltmp6:
0xe5: {  	v2 =	vadd.s32 s4, v2;
	(pc) =	sbr.rel @p0 .LBB2_14-.Ltmp6, $4  }
0xe6: {  	s4 =	sshra.s32 s0, $0x2;
	v2 =	vadd.s32 v1, v2  }
0xe7: {  	[tilespmem:s4+$0x1200] =	vst v2  }
0xe8: {  	s2 =	sadd.s32 $0x2, s2;
	v2 =	vld.idx.msk [tilespmem:v3+s17+$0x0], $0xffff  }
0xe9: {  	s8 =	sand.u32 $0x6, s2;
	s4 =	sand.u32 $0x18, s6;
	s6 =	sadd.s32 $0x1, s6  }
0xea: {  	s2 =	sor.u32 s8, s4  }
0xeb: {  	s0 =	sadd.s32 $0x40, s0;
	s2 =	sor.u32 $0xA0, s2  }
0xec: {  	s8 =	sand.u32 $0x100, s0;
	v3 =	vor.u32 s2, v0  }
0xed: {  	s2 =	sor.u32 s5, s8  }
0xee: {  	v2 =	vadd.s32 s2, v2  }
0xef: {  	s9 =	sshra.s32 s0, $0x2;
	v2 =	vadd.s32 v1, v2  }
0xf0: {  	[tilespmem:s9+$0x1200] =	vst v2  }
0xf1: {  	v2 =	vld.idx.msk [tilespmem:v3+s17+$0x0], $0xffff;
	_ =	sdelay $0x1  }
0xf2: {  	s0 =	sadd.s32 $0x40, s0  }
0xf3: {  	s11 =	sand.u32 $0x100, s0  }
0xf4: {  	s2 =	sor.u32 s5, s11  }
0xf5: {  	v2 =	vadd.s32 s2, v2  }
0xf6: {  	s0 =	sshra.s32 s0, $0x2;
	v2 =	vadd.s32 v1, v2  }
0xf7: {  	[tilespmem:s0+$0x1200] =	vst v2;
	s0 =	simm.s32 $0x0  }
0xf8: {  	s14 =	sand.u32 $0x18, s0;
	s15 =	sand.u32 $0x6, s0  }
0xf9: {  	s12 =	simm.s32 $0x1200;
	s2 =	sor.u32 s15, s14  }
0xfa: {  	s13 =	simm.s32 $0xB800;
	s16 =	simm.s32 $0x2;
	s2 =	sor.u32 $0xC0, s2  }
0xfb: {  	[tilespmem:s13], [sflag:$0x6] =	stream.indirect.gather [hbm4b:s1+s18], $0x10, s12, s18, $0xb8;
	v2 =	vor.u32 s2, v0;
	[tilespmem:$0x11800] =	vst v63  }
0xfc: {  	_ =	swait.ge [sflag:s16], $0x2000  }
0xfd: {  	s20 =	simm.s32 $0x3800;
	s22 =	simm.s32 $0x1;
	[sflag:s16] =	ssyncset.done $0x0  }
0xfe: {  	s24 =	simm.s32 $0x2;
	s19 =	rddreg [dreg:$0x5];
	[sflag:s16] =	ssyncadd.s32 $0xFFFFE000  }
0xff: {  	[hbm4b:s19+s0] =	stream.linear.scatter [tilespmem:s20], [sflag:$0xA], $0x2000, $0x38;
	[tilespmem:$0x11800] =	vst v63  }
0x100: {  	s4 =	sand.u32 $0x6, s24;
	s2 =	sand.u32 $0x18, s22;
	v2 =	vld.idx.msk [tilespmem:v2+s17+$0x0], $0xffff  }
0x101: {  	s2 =	sor.u32 s4, s2  }
0x102: {  	s2 =	sor.u32 $0xC0, s2  }
0x103: {  	s26 =	sand.u32 $0x100, s0;
	v3 =	vor.u32 s2, v0  }
0x104: {  	s2 =	sor.u32 s5, s26  }
0x105: {  	v2 =	vadd.s32 s2, v2  }
0x106: {  	s29 =	simm.s32 $0x0;
	v2 =	vadd.s32 v1, v2  }
0x107: {  	s30 =	simm.s32 $0x2;
	s2 =	simm.s32 $0x4;
	[tilespmem:s29+$0x1400] =	vst v2  }
0x108: {  	s6 =	simm.s32 $0x3;
	s4 =	sand.u32 $0x18, s30;
	s8 =	sand.u32 $0x6, s2;
	v2 =	vld.idx.msk [tilespmem:v3+s17+$0x0], $0xffff  }
.LBB2_16:
0x109: {  	p0 =	sne.s32 s6, $0x1F;
	s4 =	sor.u32 s8, s4  }
0x10a: {  	s0 =	sadd.s32 $0x40, s0;
	s4 =	sor.u32 $0xC0, s4  }
0x10b: {  	v3 =	vor.u32 s4, v0;
	s4 =	sand.u32 $0x100, s0  }
0x10c: {  	s4 =	sor.u32 s5, s4  }
.Ltmp7:
0x10d: {  	v2 =	vadd.s32 s4, v2;
	(pc) =	sbr.rel @p0 .LBB2_16-.Ltmp7, $4  }
0x10e: {  	s4 =	sshra.s32 s0, $0x2;
	v2 =	vadd.s32 v1, v2  }
0x10f: {  	[tilespmem:s4+$0x1400] =	vst v2  }
0x110: {  	s2 =	sadd.s32 $0x2, s2;
	v2 =	vld.idx.msk [tilespmem:v3+s17+$0x0], $0xffff  }
0x111: {  	s8 =	sand.u32 $0x6, s2;
	s4 =	sand.u32 $0x18, s6;
	s6 =	sadd.s32 $0x1, s6  }
0x112: {  	s2 =	sor.u32 s8, s4  }
0x113: {  	s0 =	sadd.s32 $0x40, s0;
	s2 =	sor.u32 $0xC0, s2  }
0x114: {  	s8 =	sand.u32 $0x100, s0;
	v3 =	vor.u32 s2, v0  }
0x115: {  	s2 =	sor.u32 s5, s8  }
0x116: {  	v2 =	vadd.s32 s2, v2  }
0x117: {  	s9 =	sshra.s32 s0, $0x2;
	v2 =	vadd.s32 v1, v2  }
0x118: {  	[tilespmem:s9+$0x1400] =	vst v2  }
0x119: {  	v2 =	vld.idx.msk [tilespmem:v3+s17+$0x0], $0xffff;
	_ =	sdelay $0x1  }
0x11a: {  	s0 =	sadd.s32 $0x40, s0  }
0x11b: {  	s11 =	sand.u32 $0x100, s0  }
0x11c: {  	s2 =	sor.u32 s5, s11  }
0x11d: {  	v2 =	vadd.s32 s2, v2  }
0x11e: {  	s0 =	sshra.s32 s0, $0x2;
	v2 =	vadd.s32 v1, v2  }
0x11f: {  	[tilespmem:s0+$0x1400] =	vst v2;
	s0 =	simm.s32 $0x0  }
0x120: {  	s14 =	sand.u32 $0x18, s0;
	s15 =	sand.u32 $0x6, s0  }
0x121: {  	s12 =	simm.s32 $0x1400;
	s2 =	sor.u32 s15, s14  }
0x122: {  	s13 =	simm.s32 $0xD800;
	s16 =	simm.s32 $0x3;
	s2 =	sor.u32 $0xE0, s2  }
0x123: {  	[tilespmem:s13], [sflag:$0x7] =	stream.indirect.gather [hbm4b:s1+s18], $0x10, s12, s18, $0xb8;
	v2 =	vor.u32 s2, v0;
	[tilespmem:$0x11800] =	vst v63  }
0x124: {  	_ =	swait.ge [sflag:s16], $0x2000  }
0x125: {  	s20 =	simm.s32 $0x5800;
	s22 =	simm.s32 $0x1;
	[sflag:s16] =	ssyncset.done $0x0  }
0x126: {  	s24 =	simm.s32 $0x2;
	s19 =	rddreg [dreg:$0x6];
	[sflag:s16] =	ssyncadd.s32 $0xFFFFE000  }
0x127: {  	[hbm4b:s19+s0] =	stream.linear.scatter [tilespmem:s20], [sflag:$0xB], $0x2000, $0x38;
	[tilespmem:$0x11800] =	vst v63  }
0x128: {  	s4 =	sand.u32 $0x6, s24;
	s2 =	sand.u32 $0x18, s22;
	v2 =	vld.idx.msk [tilespmem:v2+s17+$0x0], $0xffff  }
0x129: {  	s2 =	sor.u32 s4, s2  }
0x12a: {  	s2 =	sor.u32 $0xE0, s2  }
0x12b: {  	s26 =	sand.u32 $0x100, s0;
	v3 =	vor.u32 s2, v0  }
0x12c: {  	s2 =	sor.u32 s5, s26  }
0x12d: {  	v2 =	vadd.s32 s2, v2  }
0x12e: {  	s29 =	simm.s32 $0x0;
	v2 =	vadd.s32 v1, v2  }
0x12f: {  	s30 =	simm.s32 $0x2;
	s2 =	simm.s32 $0x4;
	[tilespmem:s29+$0x1600] =	vst v2  }
0x130: {  	s6 =	simm.s32 $0x3;
	s4 =	sand.u32 $0x18, s30;
	s8 =	sand.u32 $0x6, s2;
	v2 =	vld.idx.msk [tilespmem:v3+s17+$0x0], $0xffff  }
.LBB2_18:
0x131: {  	p0 =	sne.s32 s6, $0x1F;
	s4 =	sor.u32 s8, s4  }
0x132: {  	s0 =	sadd.s32 $0x40, s0;
	s4 =	sor.u32 $0xE0, s4  }
0x133: {  	v3 =	vor.u32 s4, v0;
	s4 =	sand.u32 $0x100, s0  }
0x134: {  	s4 =	sor.u32 s5, s4  }
.Ltmp8:
0x135: {  	v2 =	vadd.s32 s4, v2;
	(pc) =	sbr.rel @p0 .LBB2_18-.Ltmp8, $4  }
0x136: {  	s4 =	sshra.s32 s0, $0x2;
	v2 =	vadd.s32 v1, v2  }
0x137: {  	[tilespmem:s4+$0x1600] =	vst v2  }
0x138: {  	s2 =	sadd.s32 $0x2, s2;
	v2 =	vld.idx.msk [tilespmem:v3+s17+$0x0], $0xffff  }
0x139: {  	s8 =	sand.u32 $0x6, s2;
	s4 =	sand.u32 $0x18, s6;
	s6 =	sadd.s32 $0x1, s6  }
0x13a: {  	s2 =	sor.u32 s8, s4  }
0x13b: {  	s0 =	sadd.s32 $0x40, s0;
	s2 =	sor.u32 $0xE0, s2  }
0x13c: {  	s20 =	sand.u32 $0x100, s0;
	v3 =	vor.u32 s2, v0  }
0x13d: {  	s2 =	sor.u32 s5, s20  }
0x13e: {  	v2 =	vadd.s32 s2, v2  }
0x13f: {  	s22 =	sshra.s32 s0, $0x2;
	v2 =	vadd.s32 v1, v2  }
0x140: {  	[tilespmem:s22+$0x1600] =	vst v2  }
0x141: {  	v2 =	vld.idx.msk [tilespmem:v3+s17+$0x0], $0xffff;
	_ =	sdelay $0x1  }
0x142: {  	s0 =	sadd.s32 $0x40, s0  }
0x143: {  	s24 =	sand.u32 $0x100, s0  }
0x144: {  	s2 =	sor.u32 s5, s24  }
0x145: {  	s26 =	simm.s32 $0x1600;
	s30 =	simm.s32 $0xF800;
	s6 =	simm.s32 $0x100;
	v2 =	vadd.s32 s2, v2  }
0x146: {  	s29 =	simm.s32 $0x1A0;
	s8 =	simm.s32 $0x1E0;
	s0 =	sshra.s32 s0, $0x2;
	v2 =	vadd.s32 v1, v2  }
0x147: {  	s11 =	simm.s32 $0x0;
	s20 =	simm.s32 $0x120;
	s24 =	simm.s32 $0x160;
	[tilespmem:s0+$0x1600] =	vst v2  }
0x148: {  	[tilespmem:s30], [sflag:$0x8] =	stream.indirect.gather [hbm4b:s1+s18], $0x10, s26, s18, $0xb8;
	[tilespmem:$0x11800] =	vst v63  }
0x149: {  	s22 =	simm.s32 $0x140;
	s0 =	simm.s32 $0x1C0;
	s26 =	simm.s32 $0x180  }
.LBB2_20:
0x14a: {  	s13 =	sshll.u32 s11, $0xC;
	s14 =	simm.s32 $0x4;
	s4 =	sand.u32 $0x318, s6  }
0x14b: {  	s9 =	sand.u32 $0x6, s10;
	_ =	swait.ge [sflag:s14], $0x2000;
	s2 =	sadd.s32 s13, s5  }
0x14c: {  	s15 =	simm.s32 $0x9;
	s2 =	sshll.u32 s2, $0x1;
	s12 =	rddreg [dreg:$0x4]  }
0x14d: {  	s4 =	sor.u32 s9, s4;
	[sflag:s14] =	ssyncset.done $0x0;
	s12 =	sadd.s32 s12, s2  }
0x14e: {  	v2 =	vor.u32 s4, v0;
	[sflag:s14] =	ssyncadd.s32 $0xFFFFE000;
	s14 =	simm.s32 $0x7800;
	s9 =	sadd.s32 $0xC00, s12  }
0x14f: {  	[hbm4b:s9+s10] =	stream.linear.scatter [tilespmem:s14], [sflag:$0xC], $0x2000, $0x38;
	[tilespmem:$0x11800] =	vst v63  }
0x150: {  	_ =	swait.ge [sflag:s15], $0x2000  }
0x151: {  	[sflag:s15] =	ssyncset.done $0x0  }
0x152: {  	s9 =	sshll.u32 s11, $0x3;
	[sflag:s15] =	ssyncadd.s32 $0xFFFFE000  }
0x153: {  	s16 =	simm.s32 $0x2;
	s4 =	sadd.s32 $0x1, s6;
	s30 =	sadd.s32 $0x8, s9;
	v2 =	vld.idx.msk [tilespmem:v2+s17+$0x0], $0xffff  }
0x154: {  	s2 =	sand.u32 $0x6, s16;
	s19 =	sshll.u32 s30, $0x9;
	s15 =	sand.u32 $0x318, s4  }
0x155: {  	s14 =	sand.u32 $0xC000, s19;
	s15 =	sor.u32 s2, s15  }
0x156: {  	s16 =	sand.u32 $0x100, s10;
	s2 =	sadd.s32 s5, s14;
	v3 =	vor.u32 s15, v0  }
0x157: {  	s14 =	sor.u32 s2, s16  }
0x158: {  	v2 =	vadd.s32 s14, v2  }
0x159: {  	s19 =	simm.s32 $0x0;
	v2 =	vadd.s32 v1, v2  }
0x15a: {  	[tilespmem:s19+$0x800] =	vst v2  }
0x15b: {  	s16 =	simm.s32 $0x4;
	s15 =	simm.s32 $0x0;
	s14 =	sadd.s32 $0x1, s4;
	v2 =	vld.idx.msk [tilespmem:v3+s17+$0x0], $0xffff  }
0x15c: {  	s4 =	sand.u32 $0x318, s14;
	s19 =	sand.u32 $0x6, s16;
	s16 =	simm.s32 $0x6  }
.LBB2_21:
0x15d: {  	p0 =	sne.s32 s16, $0x3E;
	s4 =	sor.u32 s19, s4;
	s15 =	sadd.s32 $0x40, s15  }
0x15e: {  	v3 =	vor.u32 s4, v0;
	s4 =	sand.u32 $0x100, s15  }
0x15f: {  	s4 =	sor.u32 s2, s4  }
0x160: {  	v2 =	vadd.s32 s4, v2  }
.Ltmp9:
0x161: {  	s4 =	sshra.s32 s15, $0x2;
	v2 =	vadd.s32 v1, v2;
	(pc) =	sbr.rel @p0 .LBB2_21-.Ltmp9, $4  }
0x162: {  	[tilespmem:s4+$0x800] =	vst v2  }
0x163: {  	v2 =	vld.idx.msk [tilespmem:v3+s17+$0x0], $0xffff  }
0x164: {  	s14 =	sadd.s32 $0x1, s14  }
0x165: {  	s19 =	sand.u32 $0x6, s16;
	s16 =	sadd.s32 $0x2, s16;
	s4 =	sand.u32 $0x318, s14  }
0x166: {  	s4 =	sor.u32 s19, s4;
	s14 =	sadd.s32 $0x40, s15  }
0x167: {  	v3 =	vor.u32 s4, v0;
	s15 =	sand.u32 $0x100, s14  }
0x168: {  	s4 =	sor.u32 s2, s15  }
0x169: {  	v2 =	vadd.s32 s4, v2  }
0x16a: {  	s16 =	sshra.s32 s14, $0x2;
	v2 =	vadd.s32 v1, v2  }
0x16b: {  	[tilespmem:s16+$0x800] =	vst v2  }
0x16c: {  	v2 =	vld.idx.msk [tilespmem:v3+s17+$0x0], $0xffff;
	_ =	sdelay $0x1  }
0x16d: {  	s19 =	sadd.s32 $0x40, s14  }
0x16e: {  	s14 =	sand.u32 $0x100, s19  }
0x16f: {  	s15 =	sor.u32 s2, s14  }
0x170: {  	v2 =	vadd.s32 s15, v2  }
0x171: {  	s16 =	sshra.s32 s19, $0x2;
	v2 =	vadd.s32 v1, v2  }
0x172: {  	s19 =	simm.s32 $0x800;
	[tilespmem:s16+$0x800] =	vst v2  }
0x173: {  	[tilespmem:s21], [sflag:$0x1] =	stream.indirect.gather [hbm4b:s1+s18], $0x10, s19, s18, $0xb8;
	[tilespmem:$0x11800] =	vst v63  }
0x174: {  	s14 =	simm.s32 $0x0;
	s21 =	simm.s32 $0x5  }
0x175: {  	s4 =	sand.u32 $0x338, s20;
	s16 =	sand.u32 $0x6, s14;
	_ =	swait.ge [sflag:s21], $0x2000  }
0x176: {  	s2 =	sor.u32 s16, s4;
	s19 =	sadd.s32 $0x1000, s12;
	[sflag:s21] =	ssyncset.done $0x0  }
0x177: {  	s4 =	simm.s32 $0xA;
	v2 =	vor.u32 s2, v0;
	[sflag:s21] =	ssyncadd.s32 $0xFFFFE000;
	s21 =	simm.s32 $0x9800  }
0x178: {  	[hbm4b:s19+s14] =	stream.linear.scatter [tilespmem:s21], [sflag:$0xD], $0x2000, $0x38;
	[tilespmem:$0x11800] =	vst v63  }
0x179: {  	_ =	swait.ge [sflag:s4], $0x2000  }
0x17a: {  	[sflag:s4] =	ssyncset.done $0x0  }
0x17b: {  	[sflag:s4] =	ssyncadd.s32 $0xFFFFE000  }
0x17c: {  	s15 =	simm.s32 $0x2;
	s16 =	sadd.s32 $0x1, s20;
	s2 =	sadd.s32 $0x9, s9;
	v2 =	vld.idx.msk [tilespmem:v2+s17+$0x0], $0xffff  }
0x17d: {  	s19 =	sshll.u32 s2, $0x9;
	s21 =	sand.u32 $0x338, s16;
	s4 =	sand.u32 $0x6, s15  }
0x17e: {  	s15 =	sand.u32 $0xC000, s19;
	s4 =	sor.u32 s4, s21  }
0x17f: {  	s15 =	sadd.s32 s5, s15;
	s21 =	sand.u32 $0x100, s14;
	v3 =	vor.u32 s4, v0  }
0x180: {  	s4 =	sor.u32 s15, s21  }
0x181: {  	v2 =	vadd.s32 s4, v2  }
0x182: {  	s19 =	simm.s32 $0x0;
	v2 =	vadd.s32 v1, v2  }
0x183: {  	[tilespmem:s19+$0xA00] =	vst v2  }
0x184: {  	s16 =	sadd.s32 $0x1, s16;
	s21 =	simm.s32 $0x4;
	v2 =	vld.idx.msk [tilespmem:v3+s17+$0x0], $0xffff  }
0x185: {  	s21 =	sand.u32 $0x6, s21;
	s4 =	simm.s32 $0x6;
	s19 =	sand.u32 $0x338, s16  }
.LBB2_23:
0x186: {  	p0 =	sne.s32 s4, $0x3E;
	s19 =	sor.u32 s21, s19;
	s14 =	sadd.s32 $0x40, s14  }
0x187: {  	v3 =	vor.u32 s19, v0;
	s19 =	sand.u32 $0x100, s14  }
0x188: {  	s19 =	sor.u32 s15, s19  }
0x189: {  	v2 =	vadd.s32 s19, v2  }
.Ltmp10:
0x18a: {  	s19 =	sshra.s32 s14, $0x2;
	v2 =	vadd.s32 v1, v2;
	(pc) =	sbr.rel @p0 .LBB2_23-.Ltmp10, $4  }
0x18b: {  	[tilespmem:s19+$0xA00] =	vst v2  }
0x18c: {  	v2 =	vld.idx.msk [tilespmem:v3+s17+$0x0], $0xffff  }
0x18d: {  	s16 =	sadd.s32 $0x1, s16  }
0x18e: {  	s21 =	sand.u32 $0x6, s4;
	s4 =	sadd.s32 $0x2, s4;
	s19 =	sand.u32 $0x338, s16  }
0x18f: {  	s4 =	sor.u32 s21, s19;
	s14 =	sadd.s32 $0x40, s14  }
0x190: {  	v3 =	vor.u32 s4, v0;
	s16 =	sand.u32 $0x100, s14  }
0x191: {  	s4 =	sor.u32 s15, s16  }
0x192: {  	v2 =	vadd.s32 s4, v2  }
0x193: {  	s19 =	sshra.s32 s14, $0x2;
	v2 =	vadd.s32 v1, v2  }
0x194: {  	[tilespmem:s19+$0xA00] =	vst v2  }
0x195: {  	v2 =	vld.idx.msk [tilespmem:v3+s17+$0x0], $0xffff;
	_ =	sdelay $0x1  }
0x196: {  	s21 =	sadd.s32 $0x40, s14  }
0x197: {  	s14 =	sand.u32 $0x100, s21  }
0x198: {  	s14 =	sor.u32 s15, s14  }
0x199: {  	v2 =	vadd.s32 s14, v2  }
0x19a: {  	s4 =	sshra.s32 s21, $0x2;
	v2 =	vadd.s32 v1, v2  }
0x19b: {  	s16 =	simm.s32 $0x3800;
	s15 =	simm.s32 $0xA00;
	[tilespmem:s4+$0xA00] =	vst v2  }
0x19c: {  	[tilespmem:s16], [sflag:$0x2] =	stream.indirect.gather [hbm4b:s1+s18], $0x10, s15, s18, $0xb8;
	[tilespmem:$0x11800] =	vst v63  }
0x19d: {  	s14 =	simm.s32 $0x0;
	s16 =	simm.s32 $0x6  }
0x19e: {  	s19 =	sand.u32 $0x358, s22;
	s21 =	sand.u32 $0x6, s14;
	_ =	swait.ge [sflag:s16], $0x2000  }
0x19f: {  	s4 =	sor.u32 s21, s19;
	s19 =	simm.s32 $0xB800;
	[sflag:s16] =	ssyncset.done $0x0  }
0x1a0: {  	s21 =	simm.s32 $0xB;
	v2 =	vor.u32 s4, v0;
	[sflag:s16] =	ssyncadd.s32 $0xFFFFE000;
	s16 =	sadd.s32 $0x1400, s12  }
0x1a1: {  	[hbm4b:s16+s14] =	stream.linear.scatter [tilespmem:s19], [sflag:$0xE], $0x2000, $0x38;
	[tilespmem:$0x11800] =	vst v63  }
0x1a2: {  	_ =	swait.ge [sflag:s21], $0x2000  }
0x1a3: {  	[sflag:s21] =	ssyncset.done $0x0  }
0x1a4: {  	[sflag:s21] =	ssyncadd.s32 $0xFFFFE000  }
0x1a5: {  	s9 =	sadd.s32 $0xA, s9;
	s15 =	simm.s32 $0x2;
	s16 =	sadd.s32 $0x1, s22;
	v2 =	vld.idx.msk [tilespmem:v2+s17+$0x0], $0xffff  }
0x1a6: {  	s4 =	sand.u32 $0x6, s15;
	s19 =	sshll.u32 s9, $0x9;
	s21 =	sand.u32 $0x358, s16  }
0x1a7: {  	s15 =	sand.u32 $0xC000, s19;
	s4 =	sor.u32 s4, s21  }
0x1a8: {  	s15 =	sadd.s32 s5, s15;
	s21 =	sand.u32 $0x100, s14;
	v3 =	vor.u32 s4, v0  }
0x1a9: {  	s4 =	sor.u32 s15, s21  }
0x1aa: {  	v2 =	vadd.s32 s4, v2  }
0x1ab: {  	s19 =	simm.s32 $0x0;
	v2 =	vadd.s32 v1, v2  }
0x1ac: {  	[tilespmem:s19+$0xC00] =	vst v2  }
0x1ad: {  	s16 =	sadd.s32 $0x1, s16;
	s21 =	simm.s32 $0x4;
	v2 =	vld.idx.msk [tilespmem:v3+s17+$0x0], $0xffff  }
0x1ae: {  	s21 =	sand.u32 $0x6, s21;
	s4 =	simm.s32 $0x6;
	s19 =	sand.u32 $0x358, s16  }
.LBB2_25:
0x1af: {  	p0 =	sne.s32 s4, $0x3E;
	s19 =	sor.u32 s21, s19;
	s14 =	sadd.s32 $0x40, s14  }
0x1b0: {  	v3 =	vor.u32 s19, v0;
	s19 =	sand.u32 $0x100, s14  }
0x1b1: {  	s19 =	sor.u32 s15, s19  }
0x1b2: {  	v2 =	vadd.s32 s19, v2  }
.Ltmp11:
0x1b3: {  	s19 =	sshra.s32 s14, $0x2;
	v2 =	vadd.s32 v1, v2;
	(pc) =	sbr.rel @p0 .LBB2_25-.Ltmp11, $4  }
0x1b4: {  	[tilespmem:s19+$0xC00] =	vst v2  }
0x1b5: {  	v2 =	vld.idx.msk [tilespmem:v3+s17+$0x0], $0xffff  }
0x1b6: {  	s16 =	sadd.s32 $0x1, s16  }
0x1b7: {  	s21 =	sand.u32 $0x6, s4;
	s4 =	sadd.s32 $0x2, s4;
	s19 =	sand.u32 $0x358, s16  }
0x1b8: {  	s4 =	sor.u32 s21, s19;
	s14 =	sadd.s32 $0x40, s14  }
0x1b9: {  	v3 =	vor.u32 s4, v0;
	s16 =	sand.u32 $0x100, s14  }
0x1ba: {  	s4 =	sor.u32 s15, s16  }
0x1bb: {  	v2 =	vadd.s32 s4, v2  }
0x1bc: {  	s19 =	sshra.s32 s14, $0x2;
	v2 =	vadd.s32 v1, v2  }
0x1bd: {  	[tilespmem:s19+$0xC00] =	vst v2  }
0x1be: {  	v2 =	vld.idx.msk [tilespmem:v3+s17+$0x0], $0xffff;
	_ =	sdelay $0x1  }
0x1bf: {  	s21 =	sadd.s32 $0x40, s14  }
0x1c0: {  	s14 =	sand.u32 $0x100, s21  }
0x1c1: {  	s14 =	sor.u32 s15, s14  }
0x1c2: {  	v2 =	vadd.s32 s14, v2  }
0x1c3: {  	s4 =	sshra.s32 s21, $0x2;
	v2 =	vadd.s32 v1, v2  }
0x1c4: {  	s16 =	simm.s32 $0x5800;
	s15 =	simm.s32 $0xC00;
	[tilespmem:s4+$0xC00] =	vst v2  }
0x1c5: {  	[tilespmem:s16], [sflag:$0x3] =	stream.indirect.gather [hbm4b:s1+s18], $0x10, s15, s18, $0xb8;
	[tilespmem:$0x11800] =	vst v63  }
0x1c6: {  	s14 =	simm.s32 $0x0;
	s16 =	simm.s32 $0x7  }
0x1c7: {  	s19 =	sand.u32 $0x378, s24;
	s21 =	sand.u32 $0x6, s14;
	_ =	swait.ge [sflag:s16], $0x2000  }
0x1c8: {  	s4 =	sor.u32 s21, s19;
	s19 =	sadd.s32 $0x1800, s12;
	[sflag:s16] =	ssyncset.done $0x0  }
0x1c9: {  	s21 =	simm.s32 $0xD800;
	v2 =	vor.u32 s4, v0;
	[sflag:s16] =	ssyncadd.s32 $0xFFFFE000;
	s16 =	simm.s32 $0xC  }
0x1ca: {  	[hbm4b:s19+s14] =	stream.linear.scatter [tilespmem:s21], [sflag:$0xF], $0x2000, $0x38;
	[tilespmem:$0x11800] =	vst v63  }
0x1cb: {  	_ =	swait.ge [sflag:s16], $0x2000  }
0x1cc: {  	[sflag:s16] =	ssyncset.done $0x0  }
0x1cd: {  	[sflag:s16] =	ssyncadd.s32 $0xFFFFE000  }
0x1ce: {  	s19 =	simm.s32 $0x2;
	s16 =	sadd.s32 $0x1, s24;
	v2 =	vld.idx.msk [tilespmem:v2+s17+$0x0], $0xffff  }
0x1cf: {  	s13 =	sadd.s32 $0x1600, s13;
	s4 =	sand.u32 $0x6, s19;
	s21 =	sand.u32 $0x378, s16  }
0x1d0: {  	s13 =	sand.u32 $0xC000, s13;
	s4 =	sor.u32 s4, s21  }
0x1d1: {  	s15 =	sadd.s32 s5, s13;
	s13 =	sand.u32 $0x100, s14;
	v3 =	vor.u32 s4, v0  }
0x1d2: {  	s4 =	sor.u32 s15, s13  }
0x1d3: {  	v2 =	vadd.s32 s4, v2  }
0x1d4: {  	s19 =	simm.s32 $0x0;
	v2 =	vadd.s32 v1, v2  }
0x1d5: {  	[tilespmem:s19+$0xE00] =	vst v2  }
0x1d6: {  	s16 =	sadd.s32 $0x1, s16;
	s21 =	simm.s32 $0x4;
	s13 =	sshll.u32 s11, $0x8;
	v2 =	vld.idx.msk [tilespmem:v3+s17+$0x0], $0xffff  }
0x1d7: {  	s21 =	sand.u32 $0x6, s21;
	s4 =	simm.s32 $0x6;
	s19 =	sand.u32 $0x378, s16  }
.LBB2_27:
0x1d8: {  	p0 =	sne.s32 s4, $0x3E;
	s19 =	sor.u32 s21, s19;
	s14 =	sadd.s32 $0x40, s14  }
0x1d9: {  	v3 =	vor.u32 s19, v0;
	s19 =	sand.u32 $0x100, s14  }
0x1da: {  	s19 =	sor.u32 s15, s19  }
0x1db: {  	v2 =	vadd.s32 s19, v2  }
.Ltmp12:
0x1dc: {  	s19 =	sshra.s32 s14, $0x2;
	v2 =	vadd.s32 v1, v2;
	(pc) =	sbr.rel @p0 .LBB2_27-.Ltmp12, $4  }
0x1dd: {  	[tilespmem:s19+$0xE00] =	vst v2  }
0x1de: {  	v2 =	vld.idx.msk [tilespmem:v3+s17+$0x0], $0xffff  }
0x1df: {  	s16 =	sadd.s32 $0x1, s16  }
0x1e0: {  	s21 =	sand.u32 $0x6, s4;
	s4 =	sadd.s32 $0x2, s4;
	s19 =	sand.u32 $0x378, s16  }
0x1e1: {  	s4 =	sor.u32 s21, s19;
	s14 =	sadd.s32 $0x40, s14  }
0x1e2: {  	v3 =	vor.u32 s4, v0;
	s19 =	sand.u32 $0x100, s14  }
0x1e3: {  	s4 =	sor.u32 s15, s19  }
0x1e4: {  	v2 =	vadd.s32 s4, v2  }
0x1e5: {  	s21 =	sshra.s32 s14, $0x2;
	v2 =	vadd.s32 v1, v2  }
0x1e6: {  	[tilespmem:s21+$0xE00] =	vst v2  }
0x1e7: {  	v2 =	vld.idx.msk [tilespmem:v3+s17+$0x0], $0xffff;
	_ =	sdelay $0x1  }
0x1e8: {  	s16 =	sadd.s32 $0x40, s14  }
0x1e9: {  	s14 =	sand.u32 $0x100, s16  }
0x1ea: {  	s14 =	sor.u32 s15, s14  }
0x1eb: {  	v2 =	vadd.s32 s14, v2  }
0x1ec: {  	s4 =	sshra.s32 s16, $0x2;
	v2 =	vadd.s32 v1, v2  }
0x1ed: {  	s19 =	simm.s32 $0xE00;
	s21 =	simm.s32 $0x7800;
	s14 =	simm.s32 $0x0;
	[tilespmem:s4+$0xE00] =	vst v2  }
0x1ee: {  	[tilespmem:s21], [sflag:$0x4] =	stream.indirect.gather [hbm4b:s1+s18], $0x10, s19, s18, $0xb8;
	[tilespmem:$0x11800] =	vst v63  }
0x1ef: {  	s15 =	sand.u32 $0x398, s26;
	s16 =	sand.u32 $0x6, s14;
	_ =	swait.ge [sflag:s23], $0x2000  }
0x1f0: {  	s4 =	sor.u32 s16, s15;
	[sflag:s23] =	ssyncset.done $0x0  }
0x1f1: {  	s12 =	sadd.s32 $0x1C00, s12;
	v2 =	vor.u32 s4, v0;
	s19 =	simm.s32 $0xF800;
	[sflag:s23] =	ssyncadd.s32 $0xFFFFE000  }
0x1f2: {  	[hbm4b:s12+s14] =	stream.linear.scatter [tilespmem:s19], [sflag:$0x10], $0x2000, $0x38;
	[tilespmem:$0x11800] =	vst v63  }
0x1f3: {  	_ =	swait.ge [sflag:s25], $0x2000  }
0x1f4: {  	[sflag:s25] =	ssyncset.done $0x0  }
0x1f5: {  	[sflag:s25] =	ssyncadd.s32 $0xFFFFE000  }
0x1f6: {  	s15 =	sadd.s32 $0x1, s26;
	s21 =	simm.s32 $0x2;
	s12 =	sshll.u32 s13, $0x4;
	v2 =	vld.idx.msk [tilespmem:v2+s17+$0x0], $0xffff  }
0x1f7: {  	s16 =	sand.u32 $0x398, s15;
	s4 =	sand.u32 $0x6, s21;
	s13 =	sadd.s32 $0x1800, s12  }
0x1f8: {  	s4 =	sor.u32 s4, s16;
	s13 =	sand.u32 $0xC000, s13  }
0x1f9: {  	s16 =	sand.u32 $0x100, s14;
	v3 =	vor.u32 s4, v0;
	s13 =	sadd.s32 s5, s13  }
0x1fa: {  	s4 =	sor.u32 s13, s16  }
0x1fb: {  	v2 =	vadd.s32 s4, v2  }
0x1fc: {  	s19 =	simm.s32 $0x0;
	v2 =	vadd.s32 v1, v2  }
0x1fd: {  	[tilespmem:s19+$0x1000] =	vst v2  }
0x1fe: {  	s15 =	sadd.s32 $0x1, s15;
	s21 =	simm.s32 $0x4;
	v2 =	vld.idx.msk [tilespmem:v3+s17+$0x0], $0xffff  }
0x1ff: {  	s16 =	sand.u32 $0x398, s15;
	s4 =	simm.s32 $0x6;
	s19 =	sand.u32 $0x6, s21  }
.LBB2_29:
0x200: {  	p0 =	sne.s32 s4, $0x3E;
	s16 =	sor.u32 s19, s16;
	s14 =	sadd.s32 $0x40, s14  }
0x201: {  	v3 =	vor.u32 s16, v0;
	s16 =	sand.u32 $0x100, s14  }
0x202: {  	s16 =	sor.u32 s13, s16  }
0x203: {  	v2 =	vadd.s32 s16, v2  }
.Ltmp13:
0x204: {  	s16 =	sshra.s32 s14, $0x2;
	v2 =	vadd.s32 v1, v2;
	(pc) =	sbr.rel @p0 .LBB2_29-.Ltmp13, $4  }
0x205: {  	[tilespmem:s16+$0x1000] =	vst v2  }
0x206: {  	v2 =	vld.idx.msk [tilespmem:v3+s17+$0x0], $0xffff  }
0x207: {  	s15 =	sadd.s32 $0x1, s15  }
0x208: {  	s19 =	sand.u32 $0x6, s4;
	s4 =	sadd.s32 $0x2, s4;
	s16 =	sand.u32 $0x398, s15  }
0x209: {  	s4 =	sor.u32 s19, s16;
	s14 =	sadd.s32 $0x40, s14  }
0x20a: {  	v3 =	vor.u32 s4, v0;
	s16 =	sand.u32 $0x100, s14  }
0x20b: {  	s4 =	sor.u32 s13, s16  }
0x20c: {  	v2 =	vadd.s32 s4, v2  }
0x20d: {  	s19 =	sshra.s32 s14, $0x2;
	v2 =	vadd.s32 v1, v2  }
0x20e: {  	[tilespmem:s19+$0x1000] =	vst v2  }
0x20f: {  	v2 =	vld.idx.msk [tilespmem:v3+s17+$0x0], $0xffff;
	_ =	sdelay $0x1  }
0x210: {  	s21 =	sadd.s32 $0x40, s14  }
0x211: {  	s14 =	sand.u32 $0x100, s21  }
0x212: {  	s14 =	sor.u32 s13, s14  }
0x213: {  	v2 =	vadd.s32 s14, v2  }
0x214: {  	s4 =	sshra.s32 s21, $0x2;
	v2 =	vadd.s32 v1, v2  }
0x215: {  	s15 =	simm.s32 $0x1000;
	s16 =	simm.s32 $0x9800;
	[tilespmem:s4+$0x1000] =	vst v2  }
0x216: {  	[tilespmem:s16], [sflag:$0x5] =	stream.indirect.gather [hbm4b:s1+s18], $0x10, s15, s18, $0xb8;
	[tilespmem:$0x11800] =	vst v63  }
0x217: {  	s13 =	simm.s32 $0x0;
	s16 =	simm.s32 $0x1  }
0x218: {  	s21 =	sand.u32 $0x6, s13;
	s19 =	sand.u32 $0x3B8, s29;
	_ =	swait.ge [sflag:s16], $0x2000  }
0x219: {  	s4 =	sor.u32 s21, s19;
	s15 =	sshll.u32 s30, $0xA;
	[sflag:s16] =	ssyncset.done $0x0  }
0x21a: {  	s21 =	simm.s32 $0x1800;
	v2 =	vor.u32 s4, v0;
	s15 =	sadd.s32 s15, s7;
	[sflag:s16] =	ssyncadd.s32 $0xFFFFE000  }
0x21b: {  	[hbm4b:s15+s13] =	stream.linear.scatter [tilespmem:s21], [sflag:$0x9], $0x2000, $0x38;
	[tilespmem:$0x11800] =	vst v63  }
0x21c: {  	_ =	swait.ge [sflag:s28], $0x2000  }
0x21d: {  	[sflag:s28] =	ssyncset.done $0x0  }
0x21e: {  	[sflag:s28] =	ssyncadd.s32 $0xFFFFE000  }
0x21f: {  	s16 =	simm.s32 $0x2;
	s15 =	sadd.s32 $0x1, s29;
	v2 =	vld.idx.msk [tilespmem:v2+s17+$0x0], $0xffff  }
0x220: {  	s19 =	sadd.s32 $0x1A00, s12;
	s4 =	sand.u32 $0x6, s16;
	s30 =	sand.u32 $0x3B8, s15  }
0x221: {  	s14 =	sand.u32 $0xC000, s19;
	s4 =	sor.u32 s4, s30  }
0x222: {  	s14 =	sadd.s32 s5, s14;
	s16 =	sand.u32 $0x100, s13;
	v3 =	vor.u32 s4, v0  }
0x223: {  	s4 =	sor.u32 s14, s16  }
0x224: {  	v2 =	vadd.s32 s4, v2  }
0x225: {  	s19 =	simm.s32 $0x0;
	v2 =	vadd.s32 v1, v2  }
0x226: {  	[tilespmem:s19+$0x1200] =	vst v2  }
0x227: {  	s15 =	sadd.s32 $0x1, s15;
	s30 =	simm.s32 $0x4;
	v2 =	vld.idx.msk [tilespmem:v3+s17+$0x0], $0xffff  }
0x228: {  	s16 =	sand.u32 $0x3B8, s15;
	s4 =	simm.s32 $0x6;
	s19 =	sand.u32 $0x6, s30  }
.LBB2_31:
0x229: {  	p0 =	sne.s32 s4, $0x3E;
	s16 =	sor.u32 s19, s16;
	s13 =	sadd.s32 $0x40, s13  }
0x22a: {  	v3 =	vor.u32 s16, v0;
	s16 =	sand.u32 $0x100, s13  }
0x22b: {  	s16 =	sor.u32 s14, s16  }
0x22c: {  	v2 =	vadd.s32 s16, v2  }
.Ltmp14:
0x22d: {  	s16 =	sshra.s32 s13, $0x2;
	v2 =	vadd.s32 v1, v2;
	(pc) =	sbr.rel @p0 .LBB2_31-.Ltmp14, $4  }
0x22e: {  	[tilespmem:s16+$0x1200] =	vst v2  }
0x22f: {  	v2 =	vld.idx.msk [tilespmem:v3+s17+$0x0], $0xffff  }
0x230: {  	s15 =	sadd.s32 $0x1, s15  }
0x231: {  	s19 =	sand.u32 $0x6, s4;
	s4 =	sadd.s32 $0x2, s4;
	s16 =	sand.u32 $0x3B8, s15  }
0x232: {  	s4 =	sor.u32 s19, s16;
	s13 =	sadd.s32 $0x40, s13  }
0x233: {  	v3 =	vor.u32 s4, v0;
	s16 =	sand.u32 $0x100, s13  }
0x234: {  	s4 =	sor.u32 s14, s16  }
0x235: {  	v2 =	vadd.s32 s4, v2  }
0x236: {  	s19 =	sshra.s32 s13, $0x2;
	v2 =	vadd.s32 v1, v2  }
0x237: {  	[tilespmem:s19+$0x1200] =	vst v2  }
0x238: {  	v2 =	vld.idx.msk [tilespmem:v3+s17+$0x0], $0xffff;
	_ =	sdelay $0x1  }
0x239: {  	s30 =	sadd.s32 $0x40, s13  }
0x23a: {  	s13 =	sand.u32 $0x100, s30  }
0x23b: {  	s13 =	sor.u32 s14, s13  }
0x23c: {  	v2 =	vadd.s32 s13, v2  }
0x23d: {  	s4 =	sshra.s32 s30, $0x2;
	v2 =	vadd.s32 v1, v2  }
0x23e: {  	s15 =	simm.s32 $0x1200;
	s16 =	simm.s32 $0xB800;
	[tilespmem:s4+$0x1200] =	vst v2  }
0x23f: {  	[tilespmem:s16], [sflag:$0x6] =	stream.indirect.gather [hbm4b:s1+s18], $0x10, s15, s18, $0xb8;
	[tilespmem:$0x11800] =	vst v63  }
0x240: {  	s13 =	simm.s32 $0x0;
	s15 =	simm.s32 $0x2  }
0x241: {  	s19 =	sand.u32 $0x3D8, s0;
	s30 =	sand.u32 $0x6, s13;
	_ =	swait.ge [sflag:s15], $0x2000  }
0x242: {  	s2 =	sshll.u32 s2, $0xA;
	s4 =	sor.u32 s30, s19;
	[sflag:s15] =	ssyncset.done $0x0  }
0x243: {  	s2 =	sadd.s32 s2, s7;
	v2 =	vor.u32 s4, v0;
	[sflag:s15] =	ssyncadd.s32 $0xFFFFE000;
	s15 =	simm.s32 $0x3800  }
0x244: {  	[hbm4b:s2+s13] =	stream.linear.scatter [tilespmem:s15], [sflag:$0xA], $0x2000, $0x38;
	[tilespmem:$0x11800] =	vst v63  }
0x245: {  	_ =	swait.ge [sflag:s31], $0x2000  }
0x246: {  	[sflag:s31] =	ssyncset.done $0x0  }
0x247: {  	[sflag:s31] =	ssyncadd.s32 $0xFFFFE000  }
0x248: {  	s16 =	simm.s32 $0x2;
	s4 =	sadd.s32 $0x1, s0;
	v2 =	vld.idx.msk [tilespmem:v2+s17+$0x0], $0xffff  }
0x249: {  	s19 =	sadd.s32 $0x1C00, s12;
	s30 =	sand.u32 $0x3D8, s4;
	s2 =	sand.u32 $0x6, s16  }
0x24a: {  	s14 =	sand.u32 $0xC000, s19;
	s15 =	sor.u32 s2, s30  }
0x24b: {  	s16 =	sand.u32 $0x100, s13;
	s2 =	sadd.s32 s5, s14;
	v3 =	vor.u32 s15, v0  }
0x24c: {  	s14 =	sor.u32 s2, s16  }
0x24d: {  	v2 =	vadd.s32 s14, v2  }
0x24e: {  	s19 =	simm.s32 $0x0;
	v2 =	vadd.s32 v1, v2  }
0x24f: {  	[tilespmem:s19+$0x1400] =	vst v2  }
0x250: {  	s30 =	simm.s32 $0x4;
	s14 =	sadd.s32 $0x1, s4;
	v2 =	vld.idx.msk [tilespmem:v3+s17+$0x0], $0xffff  }
0x251: {  	s16 =	sand.u32 $0x6, s30;
	s4 =	simm.s32 $0x6;
	s15 =	sand.u32 $0x3D8, s14  }
.LBB2_33:
0x252: {  	p0 =	sne.s32 s4, $0x3E;
	s15 =	sor.u32 s16, s15;
	s13 =	sadd.s32 $0x40, s13  }
0x253: {  	v3 =	vor.u32 s15, v0;
	s15 =	sand.u32 $0x100, s13  }
0x254: {  	s15 =	sor.u32 s2, s15  }
0x255: {  	v2 =	vadd.s32 s15, v2  }
.Ltmp15:
0x256: {  	s15 =	sshra.s32 s13, $0x2;
	v2 =	vadd.s32 v1, v2;
	(pc) =	sbr.rel @p0 .LBB2_33-.Ltmp15, $4  }
0x257: {  	[tilespmem:s15+$0x1400] =	vst v2  }
0x258: {  	v2 =	vld.idx.msk [tilespmem:v3+s17+$0x0], $0xffff  }
0x259: {  	s14 =	sadd.s32 $0x1, s14  }
0x25a: {  	s16 =	sand.u32 $0x6, s4;
	s4 =	sadd.s32 $0x2, s4;
	s15 =	sand.u32 $0x3D8, s14  }
0x25b: {  	s4 =	sor.u32 s16, s15;
	s13 =	sadd.s32 $0x40, s13  }
0x25c: {  	v3 =	vor.u32 s4, v0;
	s15 =	sand.u32 $0x100, s13  }
0x25d: {  	s4 =	sor.u32 s2, s15  }
0x25e: {  	v2 =	vadd.s32 s4, v2  }
0x25f: {  	s16 =	sshra.s32 s13, $0x2;
	v2 =	vadd.s32 v1, v2  }
0x260: {  	[tilespmem:s16+$0x1400] =	vst v2  }
0x261: {  	v2 =	vld.idx.msk [tilespmem:v3+s17+$0x0], $0xffff;
	_ =	sdelay $0x1  }
0x262: {  	s19 =	sadd.s32 $0x40, s13  }
0x263: {  	s13 =	sand.u32 $0x100, s19  }
0x264: {  	s30 =	sor.u32 s2, s13  }
0x265: {  	v2 =	vadd.s32 s30, v2  }
0x266: {  	s13 =	sshra.s32 s19, $0x2;
	v2 =	vadd.s32 v1, v2  }
0x267: {  	s14 =	simm.s32 $0x1400;
	s15 =	simm.s32 $0xD800;
	[tilespmem:s13+$0x1400] =	vst v2  }
0x268: {  	[tilespmem:s15], [sflag:$0x7] =	stream.indirect.gather [hbm4b:s1+s18], $0x10, s14, s18, $0xb8;
	[tilespmem:$0x11800] =	vst v63  }
0x269: {  	s2 =	simm.s32 $0x0;
	s14 =	simm.s32 $0x3  }
0x26a: {  	s19 =	sand.u32 $0x6, s2;
	s16 =	sand.u32 $0x3F8, s8;
	_ =	swait.ge [sflag:s14], $0x2000  }
0x26b: {  	s9 =	sshll.u32 s9, $0xA;
	s4 =	sor.u32 s19, s16;
	[sflag:s14] =	ssyncset.done $0x0  }
0x26c: {  	s9 =	sadd.s32 s9, s7;
	s30 =	simm.s32 $0x5800;
	v2 =	vor.u32 s4, v0;
	[sflag:s14] =	ssyncadd.s32 $0xFFFFE000  }
0x26d: {  	[hbm4b:s9+s2] =	stream.linear.scatter [tilespmem:s30], [sflag:$0xB], $0x2000, $0x38;
	[tilespmem:$0x11800] =	vst v63  }
0x26e: {  	_ =	swait.ge [sflag:s3], $0x2000  }
0x26f: {  	[sflag:s3] =	ssyncset.done $0x0  }
0x270: {  	[sflag:s3] =	ssyncadd.s32 $0xFFFFE000  }
0x271: {  	s13 =	sadd.s32 $0x1, s8;
	s9 =	simm.s32 $0x2;
	v2 =	vld.idx.msk [tilespmem:v2+s17+$0x0], $0xffff  }
0x272: {  	s15 =	sand.u32 $0x3F8, s13;
	s14 =	sadd.s32 $0x1E00, s12;
	s4 =	sand.u32 $0x6, s9  }
0x273: {  	s9 =	sand.u32 $0xC000, s14;
	s4 =	sor.u32 s4, s15  }
0x274: {  	s16 =	sand.u32 $0x100, s2;
	s9 =	sadd.s32 s5, s9;
	v3 =	vor.u32 s4, v0  }
0x275: {  	s4 =	sor.u32 s9, s16  }
0x276: {  	v2 =	vadd.s32 s4, v2  }
0x277: {  	s19 =	simm.s32 $0x0;
	v2 =	vadd.s32 v1, v2  }
0x278: {  	[tilespmem:s19+$0x1600] =	vst v2  }
0x279: {  	s12 =	sadd.s32 $0x1, s13;
	s30 =	simm.s32 $0x4;
	v2 =	vld.idx.msk [tilespmem:v3+s17+$0x0], $0xffff  }
0x27a: {  	s13 =	sand.u32 $0x3F8, s12;
	s14 =	sand.u32 $0x6, s30;
	s4 =	simm.s32 $0x6  }
.LBB2_35:
0x27b: {  	p0 =	sne.s32 s4, $0x3E;
	s13 =	sor.u32 s14, s13;
	s2 =	sadd.s32 $0x40, s2  }
0x27c: {  	v3 =	vor.u32 s13, v0;
	s13 =	sand.u32 $0x100, s2  }
0x27d: {  	s13 =	sor.u32 s9, s13  }
0x27e: {  	v2 =	vadd.s32 s13, v2  }
.Ltmp16:
0x27f: {  	s13 =	sshra.s32 s2, $0x2;
	v2 =	vadd.s32 v1, v2;
	(pc) =	sbr.rel @p0 .LBB2_35-.Ltmp16, $4  }
0x280: {  	[tilespmem:s13+$0x1600] =	vst v2  }
0x281: {  	v2 =	vld.idx.msk [tilespmem:v3+s17+$0x0], $0xffff  }
0x282: {  	s12 =	sadd.s32 $0x1, s12  }
0x283: {  	s14 =	sand.u32 $0x6, s4;
	s4 =	sadd.s32 $0x2, s4;
	s13 =	sand.u32 $0x3F8, s12  }
0x284: {  	s4 =	sor.u32 s14, s13;
	s2 =	sadd.s32 $0x40, s2  }
0x285: {  	v3 =	vor.u32 s4, v0;
	s14 =	sand.u32 $0x100, s2  }
0x286: {  	s4 =	sor.u32 s9, s14  }
0x287: {  	v2 =	vadd.s32 s4, v2  }
0x288: {  	s15 =	sshra.s32 s2, $0x2;
	v2 =	vadd.s32 v1, v2  }
0x289: {  	[tilespmem:s15+$0x1600] =	vst v2  }
0x28a: {  	v2 =	vld.idx.msk [tilespmem:v3+s17+$0x0], $0xffff;
	_ =	sdelay $0x1  }
0x28b: {  	s11 =	sadd.s32 $0x1, s11;
	s2 =	sadd.s32 $0x40, s2  }
0x28c: {  	s19 =	simm.s32 $0x1600;
	p0 =	sne.s32 s11, $0x7;
	s16 =	sand.u32 $0x100, s2  }
.Ltmp17:
0x28d: {  	s30 =	simm.s32 $0xF800;
	s4 =	sor.u32 s9, s16;
	(pc) =	sbr.rel @p0 .LBB2_20-.Ltmp17, $4  }
0x28e: {  	s6 =	sadd.s32 $0x100, s6;
	s20 =	sadd.s32 $0x100, s20;
	s22 =	sadd.s32 $0x100, s22;
	v2 =	vadd.s32 s4, v2  }
0x28f: {  	s24 =	sadd.s32 $0x100, s24;
	s26 =	sadd.s32 $0x100, s26;
	s2 =	sshra.s32 s2, $0x2;
	v2 =	vadd.s32 v1, v2  }
0x290: {  	s29 =	sadd.s32 $0x100, s29;
	s0 =	sadd.s32 $0x100, s0;
	s8 =	sadd.s32 $0x100, s8;
	[tilespmem:s2+$0x1600] =	vst v2  }
0x291: {  	[tilespmem:s30], [sflag:$0x8] =	stream.indirect.gather [hbm4b:s1+s18], $0x10, s19, s18, $0xb8;
	[tilespmem:$0x11800] =	vst v63  }
0x292: {  	s0 =	simm.s32 $0x4  }
0x293: {  	_ =	swait.ge [sflag:s0], $0x2000  }
0x294: {  	s6 =	simm.s32 $0x0;
	[sflag:s0] =	ssyncset.done $0x0  }
0x295: {  	s2 =	simm.s32 $0x7800;
	s30 =	rddreg [dreg:$0x7];
	[sflag:s0] =	ssyncadd.s32 $0xFFFFE000  }
0x296: {  	[hbm4b:s30+s6] =	stream.linear.scatter [tilespmem:s2], [sflag:$0xC], $0x2000, $0x38;
	[tilespmem:$0x11800] =	vst v63  }
0x297: {  	s2 =	simm.s32 $0x9  }
0x298: {  	_ =	swait.ge [sflag:s2], $0x2000  }
0x299: {  	[sflag:s2] =	ssyncset.done $0x0  }
0x29a: {  	s4 =	simm.s32 $0x5;
	[sflag:s2] =	ssyncadd.s32 $0xFFFFE000  }
0x29b: {  	_ =	swait.ge [sflag:s4], $0x2000  }
0x29c: {  	s9 =	simm.s32 $0x9800;
	[sflag:s4] =	ssyncset.done $0x0  }
0x29d: {  	s11 =	simm.s32 $0xA;
	s8 =	rddreg [dreg:$0x8];
	[sflag:s4] =	ssyncadd.s32 $0xFFFFE000  }
0x29e: {  	[hbm4b:s8+s6] =	stream.linear.scatter [tilespmem:s9], [sflag:$0xD], $0x2000, $0x38;
	[tilespmem:$0x11800] =	vst v63  }
0x29f: {  	_ =	swait.ge [sflag:s11], $0x2000  }
0x2a0: {  	[sflag:s11] =	ssyncset.done $0x0  }
0x2a1: {  	s12 =	simm.s32 $0x6;
	[sflag:s11] =	ssyncadd.s32 $0xFFFFE000  }
0x2a2: {  	_ =	swait.ge [sflag:s12], $0x2000  }
0x2a3: {  	s14 =	simm.s32 $0xB800;
	[sflag:s12] =	ssyncset.done $0x0  }
0x2a4: {  	s15 =	simm.s32 $0xB;
	s13 =	rddreg [dreg:$0x9];
	[sflag:s12] =	ssyncadd.s32 $0xFFFFE000  }
0x2a5: {  	[hbm4b:s13+s6] =	stream.linear.scatter [tilespmem:s14], [sflag:$0xE], $0x2000, $0x38;
	[tilespmem:$0x11800] =	vst v63  }
0x2a6: {  	_ =	swait.ge [sflag:s15], $0x2000  }
0x2a7: {  	[sflag:s15] =	ssyncset.done $0x0  }
0x2a8: {  	s16 =	simm.s32 $0x7;
	[sflag:s15] =	ssyncadd.s32 $0xFFFFE000  }
0x2a9: {  	_ =	swait.ge [sflag:s16], $0x2000  }
0x2aa: {  	s20 =	simm.s32 $0xD800;
	[sflag:s16] =	ssyncset.done $0x0  }
0x2ab: {  	s22 =	simm.s32 $0xC;
	s19 =	rddreg [dreg:$0xa];
	[sflag:s16] =	ssyncadd.s32 $0xFFFFE000  }
0x2ac: {  	[hbm4b:s19+s6] =	stream.linear.scatter [tilespmem:s20], [sflag:$0xF], $0x2000, $0x38;
	[tilespmem:$0x11800] =	vst v63  }
0x2ad: {  	_ =	swait.ge [sflag:s22], $0x2000  }
0x2ae: {  	[sflag:s22] =	ssyncset.done $0x0  }
0x2af: {  	[sflag:s22] =	ssyncadd.s32 $0xFFFFE000  }
0x2b0: {  	_ =	swait.ge [sflag:s23], $0x2000  }
0x2b1: {  	[sflag:s23] =	ssyncset.done $0x0  }
0x2b2: {  	s26 =	simm.s32 $0xF800;
	s24 =	rddreg [dreg:$0xb];
	[sflag:s23] =	ssyncadd.s32 $0xFFFFE000  }
0x2b3: {  	[hbm4b:s24+s6] =	stream.linear.scatter [tilespmem:s26], [sflag:$0x10], $0x2000, $0x38;
	[tilespmem:$0x11800] =	vst v63  }
0x2b4: {  	_ =	swait.ge [sflag:s25], $0x2000  }
0x2b5: {  	[sflag:s25] =	ssyncset.done $0x0  }
0x2b6: {  	[sflag:s25] =	ssyncadd.s32 $0xFFFFE000  }
0x2b7: {  	_ =	swait.ge [sflag:s28], $0x2000  }
0x2b8: {  	[sflag:s28] =	ssyncset.done $0x0  }
0x2b9: {  	[sflag:s28] =	ssyncadd.s32 $0xFFFFE000  }
0x2ba: {  	_ =	swait.ge [sflag:s31], $0x2000  }
0x2bb: {  	[sflag:s31] =	ssyncset.done $0x0  }
0x2bc: {  	[sflag:s31] =	ssyncadd.s32 $0xFFFFE000  }
0x2bd: {  	_ =	swait.ge [sflag:s3], $0x2000  }
0x2be: {  	s29 =	rddreg [dreg:$0xd]  }
0x2bf: {  	s30 =	rddreg [dreg:$0xc];
	s2 =	sadd.s32 $0x1, s29  }
0x2c0: {  	p0 =	sne.s32 s2, s30  }
.Ltmp18:
0x2c1: {  	_ = 	snop;
	(pc) =	sbr.rel @p0 .LBB2_1-.Ltmp18, $3  }
0x2c2: {  	_ =	sdelay $0x1  }
0x2c3: {  	[sflag:s3] =	ssyncset.done $0x0  }
0x2c4: {  	[sflag:s3] =	ssyncadd.s32 $0xFFFFE000  }
0x2c5: {  	_ =	sfence.sel $0x180000  }
0x2c6: {  	[bflag:$0x0] =	sbarrier.arrive $0xFFFF  }
0x2c7: {  	_ =	strace $0x90000047  }
0x2c8: {  	s0 =	stileid.u32;
	[bflag:$0x2] =	sbarrier.arrive $0xFFFF  }
0x2c9: {  	p0 =	sne.s32 s0, $0x0;
	s0 =	rddreg [dreg:$0x3]  }
0x2ca: {  	s0 =	sadd.s32 @!p0 $0x100000, s0  }
0x2cb: {  	[sflag:s0] =	ssyncadd.tile.s32 @!p0 $0x1;
	_ =	shalt  }
.Lfunc_end2:
_tile_overlayer_lowered:
.L_overlay_start_2:
0x2cc: {  	(tag) =	ssettag $0x2  }
0x2cd: {  	s0 =	rddreg [dreg:$0x0];
	s2 =	stileid.u32  }
0x2ce: {  	s1 =	rddreg [dreg:$0x1];
	p0 =	sne.s32 s2, $0x0  }
0x2cf: {  	s3 =	rddreg [dreg:$0x2];
	[bflag:$0x3] =	sbarrier.arrive $0xFFFF;
	s2 =	simm.s32 @!p0 $0x1C11  }
0x2d0: {  	[timem:s3], [sflag:s2] =	dma.local @!p0 [hbm:s0], s1  }
0x2d1: {  	s0 =	simm.s32 @!p0 $0x11  }
0x2d2: {  	_ =	swait.ge @!p0 [sflag:s0], s1  }
0x2d3: {  	s1 =	ssub.s32 @!p0 $0x0, s1;
	[sflag:s0] =	ssyncset.done @!p0 $0x0  }
0x2d4: {  	[sflag:s0] =	ssyncadd.s32 @!p0 s1  }
0x2d5: {  	[bflag:$0x3] =	sbarrier.arrive $0xFFFF  }
0x2d6: {  	_ =	shalt  }

// kernel: sparse-core-data-format-call.cloned.1.call-start
scs
called_computation_lowered:
.L_overlay_start_0:
0x0: {  	s2 =	sld [smem:$0x3FD9]  }
0x1: {  	s3 =	sld [smem:$0x3FFE];
	_ =	sdelay $0x1  }
0x2: {  	s1 =	srdreg.scid  }
0x3: {  	s0 =	sand.u32 $0x1, s1  }
0x4: {  	s18 =	sshll.u32 s0, $0xA;
	s2 =	sadd.s32 s3, s2  }
0x5: {  	s2 =	sadd.s32 s2, s18  }
0x6: {  	[smem:$0x3FC6] =	sst s2  }
0x7: {  	_ = 	snop  }
0x8: {  	s2 =	sld [smem:$0x3FD0];
	(tm) =	ssettm $0x1  }
0x9: {  	s19 =	sld [smem:$0x3FFB];
	_ =	sdelay $0x3  }
0xa: {  	_ =	strace s19  }
0xb: {  	s3 =	sld [smem:$0x3FFC];
	_ =	sdelay $0x3  }
0xc: {  	_ =	strace s3  }
0xd: {  	s3 =	sld [smem:$0x3FFD];
	_ =	sdelay $0x3  }
0xe: {  	_ =	strace s3  }
0xf: {  	_ =	strace $0x8FFFFFFF  }
0x10: {  	s20 =	sld [smem:$0x3FDB];
	_ =	sdelay $0x1  }
0x11: {  	s4 =	simm.s32 $_scs_section_size  }
0x12: {  	s5 =	simm.s32 $_size__tile_overlayer_lowered;
	s6 =	simm.s32 $_tile_overlayer_lowered  }
0x13: {  	s23 =	simm.s32 $0x1BFF;
	s22 =	sshll.u32 s6, $0x1;
	s3 =	sadd.s32 s4, s20  }
0x14: {  	s7 =	simm.s32 $0x0;
	s21 =	sshll.u32 s5, $0x1;
	s5 =	sadd.s32 s22, s3  }
0x15: {  	[timem:s7], [sflag:s23] =	dma.local [hbm:s5], s21  }
0x16: {  	_ =	swait.ge [sflag:s23], s21  }
0x17: {  	s4 =	ssub.s32 $0x0, s21;
	[sflag:s23] =	ssyncset.done $0x0  }
0x18: {  	[sflag:s23] =	ssyncadd.s32 s4;
	_ =	sdelay $0x1  }
0x19: {  	s24 =	simm.s32 $0x1B8B  }
0x1a: {  	_ =	swait.ge [sflag:s24], $0x1  }
0x1b: {  	[sflag:s24] =	ssyncset.done $0x0  }
0x1c: {  	s26 =	simm.s32 $0x1B8E;
	s25 =	sld [smem:$0x3FFE];
	[sflag:s24] =	ssyncadd.s32 $0xFFFFFFFF  }
0x1d: {  	s27 =	simm.s32 $execute0_lowered;
	[smem:$0x3FD2] =	sst s26  }
0x1e: {  	s5 =	sshll.u32 s27, $0x1;
	_ =	strace $0x80000049;
	[dreg:$0x1] =	wrdreg $0xFFFFFFFF  }
0x1f: {  	s28 =	simm.s32 $_size_execute0_lowered;
	s3 =	sadd.s32 s3, s5;
	[dreg:$0x0] =	wrdreg $0x0  }
0x20: {  	s5 =	sshll.u32 s28, $0x1;
	[dreg:$0x2] =	wrdreg s3  }
0x21: {  	[dreg:$0x3] =	wrdreg s5  }
0x22: {  	[dreg:$0x4] =	wrdreg $0xC0  }
0x23: {  	_ =	task [dreg:s7], $0x5FFFF  }
0x24: {  	[dreg:$0x1] =	wrdreg $0xFFFFFFFF  }
0x25: {  	[dreg:$0x0] =	wrdreg $0x60  }
0x26: {  	[dreg:$0x2] =	wrdreg s25  }
0x27: {  	[dreg:$0x3] =	wrdreg s2  }
0x28: {  	[dreg:$0x4] =	wrdreg $0x9  }
0x29: {  	_ =	task.clear_ibuf [dreg:s7], $0x5FFFF;
	_ =	strace $0x90000049  }
0x2a: {  	s29 =	simm.s32 $0x9;
	_ =	strace $0x8000004B  }
0x2b: {  	_ =	swait.ge [sflag:s29], $0x1  }
0x2c: {  	[sflag:s29] =	ssyncadd.s32 $0xFFFFFFFF  }
0x2d: {  	_ =	strace $0x9000004B  }
0x2e: {  	_ =	sfence  }
0x2f: {  	s30 =	sld [smem:$0x0];
	_ =	sdelay $0x2  }
0x30: {  	s31 =	sshll.u32 s1, $0xD;
	s1 =	sshrl.u32 s1, $0x2  }
0x31: {  	s3 =	sand.u32 $0x4000, s31;
	s1 =	sadd.s32 s1, s30  }
0x32: {  	s0 =	sor.u32 s3, s0;
	s1 =	sshll.u32 s1, $0x11  }
0x33: {  	s0 =	sor.u32 s1, s0  }
0x34: {  	s0 =	sadd.s32 $0x8F2B, s0  }
0x35: {  	[sflag:s0] =	ssyncadd.remote.s32 $0x1  }
0x36: {  	_ =	sfence.sel $0xFFFF  }
0x37: {  	[dreg:$0x0] =	wrdreg $0xFFFFFFFF;
	(pc) =	sbr.abs _section_cstart, $3  }
0x38: {  	[dreg:$0x1] =	wrdreg $0xFFFFFFFF  }
0x39: {  	_ =	task.clear_ibuf [dreg:s7], $0x2FFFF;
	_ =	strace $0x9FFFFFFF  }
0x3a: {  	(tm) =	ssettm $0x7FFFFFFF  }
0x3b: {  	_ =	shalt  }
tec
execute0_lowered:
.L_overlay_start_1:
0x0: {  	(tag) =	ssettag $0x1  }
0x1: {  	s0 =	srdreg.scid  }
0x2: {  	s1 =	sshll.u32 s0, $0x4  }
0x3: {  	s4 =	rddreg [dreg:$0x0];
	s0 =	stileid.u32;
	s1 =	sand.u32 $0x10, s1  }
0x4: {  	s2 =	rddreg [dreg:$0x1];
	s7 =	simm.s32 $0x1;
	s1 =	sor.u32 s0, s1  }
0x5: {  	s8 =	simm.s32 $0x2;
	s11 =	simm.s32 $0x0;
	s3 =	sshll.u32 s1, $0x7  }
0x6: {  	s10 =	simm.s32 $0x0;
	s4 =	sadd.s32 $0x200800, s4;
	s6 =	ssub.s32 $0x100000, s3  }
.Ltmp0:
0x7: {  	s1 =	rddreg [dreg:$0x2];
	s5 =	sand.u32 $0xF80, s6;
	(pc) =	sbr.rel .LBB1_1-.Ltmp0, $4  }
0x8: {  	_ =	strace $0x8000004A;
	s9 =	smov.u32 s3;
	p0 =	sne.s32 s5, $0x0  }
0x9: {  	s6 =	sshrl.u32 s6, $0xC;
	s5 =	simm.s32 $0x1;
	s7 =	simm.s32 @!p0 $0x0  }
0xa: {  	[sflag:s5] =	ssyncpa.u1 $0x0;
	p0 =	por $0x0, $0x0;
	s6 =	sadd.s32 s7, s6  }
0xb: {  	[sflag:s8] =	ssyncpa.u1 $0x0;
	s8 =	simm.s32 $0x800000;
	s7 =	sadd.s32 $0x1, s6  }
.LBB1_4:
0xc: {  	[tilespmem:s12+$0xFFFFFFFC ss:$0x81] =	vst.msk $0xffff, v2;
	s14 =	sshll.u32 s11, $0x3  }
0xd: {  	[tilespmem:s12+$0xFFFFFFFD ss:$0x81] =	vst.msk $0xffff, v3;
	s15 =	sand.u32 $0x78, s11;
	s14 =	sand.u32 $0xFFC00, s14  }
0xe: {  	[tilespmem:s12+$0xFFFFFFFE ss:$0x81] =	vst.msk $0xffff, v1;
	s29 =	sand.u32 $0x1E0000, s11;
	s30 =	sand.u32 $0x7, s11;
	s14 =	sor.u32 s15, s14  }
0xf: {  	[tilespmem:s12+$0xFFFFFFFF ss:$0x81] =	vst.msk $0xffff, v4;
	s11 =	sshll.u32 s30, $0x12;
	s15 =	sadd.s32 s2, s29;
	s14 =	sshrl.u32 s14, $0x3  }
0x10: {  	[tilespmem:s12+$0xFFFFFFF9 ss:$0x81] =	vst.msk $0xffff, v0;
	s11 =	sor.u32 $0x400, s11;
	s31 =	sadd.s32 s14, s15  }
0x11: {  	[hbm4b:s31+s11] =	stream.strided.scatter [tilespmem:s13], [sflag:$0x2], $0x800, s8, s11, $0x20;
	[tilespmem:$0x2020] =	vst v63  }
.LBB1_5:
0x12: {  	s13 =	sadd.s32 $0x1000, s9  }
0x13: {  	p2 =	sgt.s32 s13, $0xFFFFF  }
0x14: {  	s13 =	smov.u32 @p2 s3;
	p2 =	sne.s32 s10, s7  }
.Ltmp1:
0x15: {  	p1 =	slt.u32 s10, $0x2;
	(pc) =	sbr.rel @!p2 .LBB1_6-.Ltmp1, $4  }
0x16: {  	s12 =	simm.s32 @!p1 $0x2  }
0x17: {  	s14 =	sadd.s32 $0x1, s10;
	_ =	swait.ge @!p1 [sflag:s12], $0x800  }
0x18: {  	s11 =	smov.u32 s9;
	p0 =	por !p0, !p0;
	[sflag:s12] =	ssyncset.done @!p1 $0x0  }
0x19: {  	s10 =	smov.u32 s14;
	s9 =	smov.u32 s13;
	[sflag:s12] =	ssyncadd.s32 @!p1 $0xFFFFF800  }
.LBB1_1:
0x1a: {  	p1 =	sge.u32 s10, s6  }
0x1b: {  	s31 =	sadd.s32 $0xFFFFFFFF, s10;
	s12 =	sxor.u32 @!p1 $0xFFFFFFFF, s10;
	s13 =	sshll.u32 @!p1 s9, $0x4  }
0x1c: {  	s14 =	simm.s32 @!p1 $0x10;
	s12 =	sshll.u32 @!p1 s12, $0xB;
	s13 =	sand.u32 @!p1 $0xFFFFF0, s13  }
0x1d: {  	s15 =	simm.s32 @!p1 $0x80;
	s12 =	sand.u32 @!p1 $0x800, s12;
	s13 =	sadd.s32 @!p1 s4, s13  }
0x1e: {  	[tilespmem:s12], [sflag:$0x1] =	stream.strided.gather @!p1 [hbm4b:s13+s14], $0x800, s15, s14, $0x38;
	[tilespmem:$0x2020] =	vst v63  }
0x1f: {  	p1 =	sge.u32 s31, s6  }
.Ltmp2:
0x20: {  	_ = 	snop;
	(pc) =	sbr.rel @p1 .LBB1_5-.Ltmp2, $1  }
0x21: {  	_ =	sdelay $0x3  }
0x22: {  	s12 =	simm.s32 $0x1  }
0x23: {  	_ =	swait.ge [sflag:s5], $0x800;
	s12 =	simm.s32 @!p0 $0x0  }
0x24: {  	[sflag:s5] =	ssyncset.done $0x0;
	s13 =	sshll.u32 s12, $0xB  }
0x25: {  	[sflag:s5] =	ssyncadd.s32 $0xFFFFF800;
	s15 =	sor.u32 $0x40, s13  }
0x26: {  	v0 =	vld [tilespmem:s15+$0x30]  }
0x27: {  	s12 =	smul.u32 $0x2040, s12;
	v4 =	vld [tilespmem:s15+$0xFFFFFFD0]  }
0x28: {  	v5 =	vld [tilespmem:s15+$0xFFFFFFE0]  }
0x29: {  	s31 =	sand.u32 $0x1, s10;
	s12 =	sshrl.u32 s12, $0x2;
	v2 =	vld [tilespmem:s15+$0xFFFFFFF0]  }
0x2a: {  	s13 =	smul.u32 $0x2040, s31;
	v3 =	vld [tilespmem:s15+$0x0];
	s12 =	sor.u32 $0x1007, s12  }
0x2b: {  	v1 =	vld [tilespmem:s15+$0x10];
	[tilespmem:s12+$0x0 ss:$0x81] =	vst.msk $0xffff, v0  }
0x2c: {  	s13 =	sshrl.u32 s13, $0x2;
	[tilespmem:s12+$0xFFFFFFFA ss:$0x81] =	vst.msk $0xffff, v4;
	v4 =	vld [tilespmem:s15+$0x20]  }
0x2d: {  	s14 =	simm.s32 $0x0;
	s13 =	sor.u32 $0x1000, s13;
	v0 =	vld [tilespmem:s15+$0xFFFFFFC0];
	[tilespmem:s12+$0xFFFFFFFB ss:$0x81] =	vst.msk $0xffff, v5;
	s15 =	sadd.s32 $0x80, s15  }
.LBB1_3:
0x2e: {  	v5 =	vld [tilespmem:s15+$0x30];
	s14 =	sadd.s32 $0x8, s14;
	[tilespmem:s12+$0xFFFFFFFC ss:$0x81] =	vst.msk $0xffff, v2  }
0x2f: {  	v6 =	vld [tilespmem:s15+$0xFFFFFFD0];
	p1 =	slt.u32 s14, $0x78;
	[tilespmem:s12+$0xFFFFFFFD ss:$0x81] =	vst.msk $0xffff, v3  }
0x30: {  	v7 =	vld [tilespmem:s15+$0xFFFFFFE0];
	[tilespmem:s12+$0xFFFFFFFE ss:$0x81] =	vst.msk $0xffff, v1  }
.Ltmp3:
0x31: {  	v2 =	vld [tilespmem:s15+$0xFFFFFFF0];
	[tilespmem:s12+$0xFFFFFFFF ss:$0x81] =	vst.msk $0xffff, v4;
	(pc) =	sbr.rel @p1 .LBB1_3-.Ltmp3, $4  }
0x32: {  	v3 =	vld [tilespmem:s15+$0x0];
	[tilespmem:s12+$0xFFFFFFF9 ss:$0x81] =	vst.msk $0xffff, v0;
	s12 =	sadd.s32 $0x8, s12  }
0x33: {  	v1 =	vld [tilespmem:s15+$0x10];
	[tilespmem:s12+$0x0 ss:$0x81] =	vst.msk $0xffff, v5  }
0x34: {  	[tilespmem:s12+$0xFFFFFFFA ss:$0x81] =	vst.msk $0xffff, v6;
	v4 =	vld [tilespmem:s15+$0x20]  }
0x35: {  	v0 =	vld [tilespmem:s15+$0xFFFFFFC0];
	[tilespmem:s12+$0xFFFFFFFB ss:$0x81] =	vst.msk $0xffff, v7;
	s15 =	sadd.s32 $0x80, s15  }
.Ltmp4:
0x36: {  	_ = 	snop;
	(pc) =	sbr.rel .LBB1_4-.Ltmp4, $1  }
0x37: {  	_ =	sdelay $0x3  }
.LBB1_6:
0x38: {  	_ =	sfence.sel $0x180000  }
0x39: {  	s2 =	simm.s32 $0x1;
	[bflag:$0x0] =	sbarrier.arrive $0xFFFF  }
0x3a: {  	s31 =	simm.s32 $0x2;
	[sflag:s2] =	ssyncpa.u1 $0x1  }
0x3b: {  	[sflag:s31] =	ssyncpa.u1 $0x1  }
0x3c: {  	p0 =	sne.s32 s0, $0x0;
	_ =	strace $0x9000004A  }
0x3d: {  	s0 =	sadd.s32 @!p0 $0x100000, s1;
	[bflag:$0x2] =	sbarrier.arrive $0xFFFF  }
0x3e: {  	[sflag:s0] =	ssyncadd.tile.s32 @!p0 $0x1;
	_ =	shalt  }
.Lfunc_end1:
_tile_overlayer_lowered:
.L_overlay_start_2:
0x3f: {  	(tag) =	ssettag $0x2  }
0x40: {  	s0 =	rddreg [dreg:$0x0];
	s2 =	stileid.u32  }
0x41: {  	s1 =	rddreg [dreg:$0x1];
	p0 =	sne.s32 s2, $0x0  }
0x42: {  	s3 =	rddreg [dreg:$0x2];
	[bflag:$0x3] =	sbarrier.arrive $0xFFFF;
	s2 =	simm.s32 @!p0 $0x1C01  }
0x43: {  	[timem:s3], [sflag:s2] =	dma.local @!p0 [hbm:s0], s1  }
0x44: {  	s0 =	simm.s32 @!p0 $0x1  }
0x45: {  	_ =	swait.ge @!p0 [sflag:s0], s1  }
0x46: {  	s1 =	ssub.s32 @!p0 $0x0, s1;
	[sflag:s0] =	ssyncset.done @!p0 $0x0  }
0x47: {  	[sflag:s0] =	ssyncadd.s32 @!p0 s1  }
0x48: {  	[bflag:$0x3] =	sbarrier.arrive $0xFFFF  }
0x49: {  	_ =	shalt  }

</sc_bundles>
